<compile_context>
chip_gen: v7x
topology: tpu7x:2x2x1
jax: 0.10.2.dev20260603
libtpu: 0.0.44.dev20260713+nightly
codegen_flags: <defaults>
</compile_context>

<pallas_src>
import functools

import jax
import jax.numpy as jnp
from jax import lax
from jax.experimental import pallas as pl
from jax.experimental.pallas import tpu as pltpu
from jax.experimental.pallas import tpu_sc as plsc

_NUM_CORES = 2
_NUM_SUBCORES = 16
_NUM_WORKERS = _NUM_CORES * _NUM_SUBCORES

_CHUNK = 128
_S = 6
_A = 3


@functools.partial(jax.jit, static_argnums=(2, 3))
def _embedding_gather(table, idx3, n_chunks, embed_dim):
  total = _NUM_WORKERS * n_chunks * _CHUNK
  n = n_chunks
  assert n > 2 * _S
  main_lo = ((_A + _S - 1) // _S) * _S
  main_hi = max(((n - _A) // _S) * _S, main_lo)
  mesh = plsc.VectorSubcoreMesh(
      core_axis_name="c", subcore_axis_name="s", num_cores=_NUM_CORES)

  @functools.partial(
      pl.kernel,
      mesh=mesh,
      out_type=jax.ShapeDtypeStruct((total, embed_dim), jnp.float32),
      scratch_types=[
          pltpu.VMEM((n_chunks, _CHUNK), jnp.int32),
          pltpu.VMEM((_S, _CHUNK, embed_dim), jnp.float32),
          [pltpu.SemaphoreType.DMA] * _S,
          [pltpu.SemaphoreType.DMA] * _S,
      ],
  )
  def k(table_hbm, idx_hbm, out_hbm, idx_all, rows_v, gsems, osems):
    wid = lax.axis_index("s") * _NUM_CORES + lax.axis_index("c")
    pltpu.sync_copy(idx_hbm.at[wid], idx_all)
    out_base = wid * n * _CHUNK

    def fire_gather(j, b):
      pltpu.async_copy(table_hbm.at[idx_all.at[j]], rows_v.at[b], gsems[b])

    def wait_gather(b):
      pltpu.make_async_copy(
          table_hbm.at[pl.ds(0, _CHUNK)], rows_v.at[b], gsems[b]).wait()

    def fire_out(j, b):
      pltpu.async_copy(
          rows_v.at[b], out_hbm.at[pl.ds(out_base + j * _CHUNK, _CHUNK)],
          osems[b])

    def wait_out(b):
      pltpu.make_async_copy(
          rows_v.at[b], out_hbm.at[pl.ds(0, _CHUNK)], osems[b]).wait()

    for j in range(_A):
      fire_gather(j, j % _S)
    for j in range(_A):
      b = j % _S
      wait_gather(b)
      fire_out(j, b)
      fire_gather(j + _A, (j + _A) % _S)

    def step(j, b):
      wait_gather(b)
      fire_out(j, b)
      wait_out((b + _A) % _S)
      fire_gather(j + _A, (b + _A) % _S)

    for j in range(_A, main_lo):
      step(j, j % _S)

    def body(t, _):
      for r in range(_S):
        step(t * _S + r, r)
      return 0

    if main_lo < main_hi:
      lax.fori_loop(main_lo // _S, main_hi // _S, body, 0)

    for j in range(main_hi, n - _A):
      step(j, j % _S)

    for j in range(n - _A, n):
      b = j % _S
      wait_gather(b)
      fire_out(j, b)
      wait_out((b + _A) % _S)
    for j in range(n - _A, n):
      wait_out(j % _S)

  return k(table, idx3)


def kernel(input_x, table):
  batch, hist = input_x.shape
  _, embed_dim = table.shape
  total = batch * hist
  assert total % (_NUM_WORKERS * _CHUNK) == 0
  idx_flat = input_x.astype(jnp.int32).reshape(total)
  unit = _NUM_WORKERS * _CHUNK
  sc_total = (total * 9 // 10) // unit * unit
  n_chunks = sc_total // unit
  idx3 = idx_flat[:sc_total].reshape(_NUM_WORKERS, n_chunks, _CHUNK)
  out_sc = _embedding_gather(table, idx3, n_chunks, embed_dim)
  out_tc = jnp.take(table, idx_flat[sc_total:], axis=0)
  out = jnp.concatenate([out_sc, out_tc], axis=0)
  return out.reshape(batch, hist, embed_dim)

# --- scband reference (transcript-rebuilt; emitter-appended) ---
"""Pipeline reference for scband-embedding-layer-52192442581018 (READ-ONLY COPY).

The authoritative reference and input builder live on the scoring server;
editing this copy changes nothing except your own understanding.
"""

import jax, jax.numpy as jnp
import numpy as np

WORD_NUM = 100000
EMBED_DIM = 128
BATCH = 4096
HIST = 200

def setup_inputs(seed: int = 0) -> dict:
    key = jax.random.key(seed)
    k1, k2 = jax.random.split(key)
    input_x = jax.random.randint(k1, (BATCH, HIST), 0, WORD_NUM, dtype=jnp.int64 if jax.config.jax_enable_x64 else jnp.int32)
    table = jax.random.normal(k2, (WORD_NUM, EMBED_DIM), dtype=jnp.float32)
    return {"input_x": input_x, "table": table}

def reference(input_x, table):
    # torch.nn.Embedding forward: gather rows of the table by index
    return jnp.take(table, input_x, axis=0)

if __name__ == "__main__":
    import jax
    _d = setup_inputs()
    print(jax.jit(kernel)(*tuple(_d.values())))

</pallas_src>

<mosaic_0001>
#map = affine_map<(d0, d1) -> (0, 0)>
#map1 = affine_map<(d0, d1) -> (0, 0, 0)>
module attributes {stable_mosaic.version = 14 : i64} {
  func.func @k(%arg0: i32, %arg1: i32, %arg2: memref<100000x128xf32, #tpu.memory_space<hbm>>, %arg3: memref<32x180x128xi32, #tpu.memory_space<hbm>>, %arg4: memref<737280x128xf32, #tpu.memory_space<hbm>>, %arg5: memref<180x128xi32, #tpu.memory_space<vmem>>, %arg6: memref<6x128x128xf32, #tpu.memory_space<vmem>>, %arg7: memref<!tpu.dma_semaphore, #tpu.memory_space<semaphore_mem>>, %arg8: memref<!tpu.dma_semaphore, #tpu.memory_space<semaphore_mem>>, %arg9: memref<!tpu.dma_semaphore, #tpu.memory_space<semaphore_mem>>, %arg10: memref<!tpu.dma_semaphore, #tpu.memory_space<semaphore_mem>>, %arg11: memref<!tpu.dma_semaphore, #tpu.memory_space<semaphore_mem>>, %arg12: memref<!tpu.dma_semaphore, #tpu.memory_space<semaphore_mem>>, %arg13: memref<!tpu.dma_semaphore, #tpu.memory_space<semaphore_mem>>, %arg14: memref<!tpu.dma_semaphore, #tpu.memory_space<semaphore_mem>>, %arg15: memref<!tpu.dma_semaphore, #tpu.memory_space<semaphore_mem>>, %arg16: memref<!tpu.dma_semaphore, #tpu.memory_space<semaphore_mem>>, %arg17: memref<!tpu.dma_semaphore, #tpu.memory_space<semaphore_mem>>, %arg18: memref<!tpu.dma_semaphore, #tpu.memory_space<semaphore_mem>>) attributes {dimension_semantics = [#tpu.dimension_semantics<core_parallel>, #tpu.dimension_semantics<subcore_parallel>], iteration_bounds = array<i64: 2, 16>, scalar_prefetch = 0 : i64, scratch_operands = 14 : i64, tpu.core_type = #tpu.core_type<sc_vector_subcore>, window_params = [{transform_indices = #map}, {transform_indices = #map1}, {transform_indices = #map}]} {
    %mul3A = arith.constant 2 : i32
    %mul3A_0 = arith.muli %arg1, %mul3A : i32
    %add3A = arith.addi %mul3A_0, %arg0 : i32
    "tpu.region"() ({
      %run_scoped3A = tpu.sem_alloc : memref<!tpu.dma_semaphore, #tpu.memory_space<semaphore_mem>>
      %dma_start3A_693 = arith.constant 0 : i32
      %dma_start3A_694 = arith.constant 0 : i32
      %dma_start3A_695 = tpu.memref_slice %arg3[%add3A, %dma_start3A_693, %dma_start3A_694] : memref<32x180x128xi32, #tpu.memory_space<hbm>> -> memref<1x180x128xi32, #tpu.memory_space<hbm>>
      %dma_start3A_696 = tpu.memref_squeeze %dma_start3A_695 : memref<1x180x128xi32, #tpu.memory_space<hbm>> -> memref<180x128xi32, #tpu.memory_space<hbm>>
      %dma_start3A_697 = arith.constant 0 : i32
      %dma_start3A_698 = arith.constant 0 : i32
      %dma_start3A_699 = tpu.memref_slice %arg3[%add3A, %dma_start3A_697, %dma_start3A_698] : memref<32x180x128xi32, #tpu.memory_space<hbm>> -> memref<1x180x128xi32, #tpu.memory_space<hbm>>
      %dma_start3A_700 = tpu.memref_squeeze %dma_start3A_699 : memref<1x180x128xi32, #tpu.memory_space<hbm>> -> memref<180x128xi32, #tpu.memory_space<hbm>>
      tpu.enqueue_dma source(%dma_start3A_700 : memref<180x128xi32, #tpu.memory_space<hbm>>) target(%arg5 : memref<180x128xi32, #tpu.memory_space<vmem>>) target_semaphore(%run_scoped3A : memref<!tpu.dma_semaphore, #tpu.memory_space<semaphore_mem>>)
      %dma_wait3A_701 = arith.constant 0 : i32
      %dma_wait3A_702 = arith.constant 0 : i32
      %dma_wait3A_703 = tpu.memref_slice %arg3[%add3A, %dma_wait3A_701, %dma_wait3A_702] : memref<32x180x128xi32, #tpu.memory_space<hbm>> -> memref<1x180x128xi32, #tpu.memory_space<hbm>>
      %dma_wait3A_704 = tpu.memref_squeeze %dma_wait3A_703 : memref<1x180x128xi32, #tpu.memory_space<hbm>> -> memref<180x128xi32, #tpu.memory_space<hbm>>
      %dma_wait3A_705 = arith.constant 0 : i32
      %dma_wait3A_706 = arith.constant 0 : i32
      %dma_wait3A_707 = tpu.memref_slice %arg3[%add3A, %dma_wait3A_705, %dma_wait3A_706] : memref<32x180x128xi32, #tpu.memory_space<hbm>> -> memref<1x180x128xi32, #tpu.memory_space<hbm>>
      %dma_wait3A_708 = tpu.memref_squeeze %dma_wait3A_707 : memref<1x180x128xi32, #tpu.memory_space<hbm>> -> memref<180x128xi32, #tpu.memory_space<hbm>>
      tpu.wait_dma2 semaphore(%run_scoped3A : memref<!tpu.dma_semaphore, #tpu.memory_space<semaphore_mem>>) src(%dma_wait3A_708 : memref<180x128xi32, #tpu.memory_space<hbm>>) dst(%arg5 : memref<180x128xi32, #tpu.memory_space<vmem>>)
      tpu.yield
    }) : () -> ()
    %mul3A_1 = arith.constant 180 : i32
    %mul3A_2 = arith.muli %add3A, %mul3A_1 : i32
    %mul3A_3 = arith.constant 128 : i32
    %mul3A_4 = arith.muli %mul3A_2, %mul3A_3 : i32
    %dma_start3A = arith.constant 0 : i32
    %dma_start3A_5 = arith.constant 0 : i32
    %dma_start3A_6 = arith.constant 0 : i32
    %dma_start3A_7 = arith.constant 0 : i32
    %dma_start3A_8 = tpu.memref_slice %arg6[%dma_start3A_5, %dma_start3A_6, %dma_start3A_7] : memref<6x128x128xf32, #tpu.memory_space<vmem>> -> memref<1x128x128xf32, #tpu.memory_space<vmem>>
    %dma_start3A_9 = tpu.memref_squeeze %dma_start3A_8 : memref<1x128x128xf32, #tpu.memory_space<vmem>> -> memref<128x128xf32, #tpu.memory_space<vmem>>
    %dma_start3A_10 = arith.constant 0 : i32
    %dma_start3A_11 = tpu.memref_slice %arg5[%dma_start3A, %dma_start3A_10] : memref<180x128xi32, #tpu.memory_space<vmem>> -> memref<1x128xi32, #tpu.memory_space<vmem>>
    %dma_start3A_12 = tpu.memref_squeeze %dma_start3A_11 : memref<1x128xi32, #tpu.memory_space<vmem>> -> memref<128xi32, #tpu.memory_space<vmem>>
    %dma_start3A_13 = arith.constant 0 : i32
    %dma_start3A_14 = arith.constant 0 : i32
    %dma_start3A_15 = tpu.memref_slice %arg2[%dma_start3A_13, %dma_start3A_14] : memref<100000x128xf32, #tpu.memory_space<hbm>> -> memref<100000x128xf32, #tpu.memory_space<hbm>>
    tpu.enqueue_indirect_dma source(%dma_start3A_15 : memref<100000x128xf32, #tpu.memory_space<hbm>>) target(%dma_start3A_9 : memref<128x128xf32, #tpu.memory_space<vmem>>) offsets(%dma_start3A_12 : memref<128xi32, #tpu.memory_space<vmem>>) semaphore(%arg7 : memref<!tpu.dma_semaphore, #tpu.memory_space<semaphore_mem>>)
    %dma_start3A_16 = arith.constant 1 : i32
    %dma_start3A_17 = arith.constant 1 : i32
    %dma_start3A_18 = arith.constant 0 : i32
    %dma_start3A_19 = arith.constant 0 : i32
    %dma_start3A_20 = tpu.memref_slice %arg6[%dma_start3A_17, %dma_start3A_18, %dma_start3A_19] : memref<6x128x128xf32, #tpu.memory_space<vmem>> -> memref<1x128x128xf32, #tpu.memory_space<vmem>>
    %dma_start3A_21 = tpu.memref_squeeze %dma_start3A_20 : memref<1x128x128xf32, #tpu.memory_space<vmem>> -> memref<128x128xf32, #tpu.memory_space<vmem>>
    %dma_start3A_22 = arith.constant 0 : i32
    %dma_start3A_23 = tpu.memref_slice %arg5[%dma_start3A_16, %dma_start3A_22] : memref<180x128xi32, #tpu.memory_space<vmem>> -> memref<1x128xi32, #tpu.memory_space<vmem>>
    %dma_start3A_24 = tpu.memref_squeeze %dma_start3A_23 : memref<1x128xi32, #tpu.memory_space<vmem>> -> memref<128xi32, #tpu.memory_space<vmem>>
    %dma_start3A_25 = arith.constant 0 : i32
    %dma_start3A_26 = arith.constant 0 : i32
    %dma_start3A_27 = tpu.memref_slice %arg2[%dma_start3A_25, %dma_start3A_26] : memref<100000x128xf32, #tpu.memory_space<hbm>> -> memref<100000x128xf32, #tpu.memory_space<hbm>>
    tpu.enqueue_indirect_dma source(%dma_start3A_27 : memref<100000x128xf32, #tpu.memory_space<hbm>>) target(%dma_start3A_21 : memref<128x128xf32, #tpu.memory_space<vmem>>) offsets(%dma_start3A_24 : memref<128xi32, #tpu.memory_space<vmem>>) semaphore(%arg8 : memref<!tpu.dma_semaphore, #tpu.memory_space<semaphore_mem>>)
    %dma_start3A_28 = arith.constant 2 : i32
    %dma_start3A_29 = arith.constant 2 : i32
    %dma_start3A_30 = arith.constant 0 : i32
    %dma_start3A_31 = arith.constant 0 : i32
    %dma_start3A_32 = tpu.memref_slice %arg6[%dma_start3A_29, %dma_start3A_30, %dma_start3A_31] : memref<6x128x128xf32, #tpu.memory_space<vmem>> -> memref<1x128x128xf32, #tpu.memory_space<vmem>>
    %dma_start3A_33 = tpu.memref_squeeze %dma_start3A_32 : memref<1x128x128xf32, #tpu.memory_space<vmem>> -> memref<128x128xf32, #tpu.memory_space<vmem>>
    %dma_start3A_34 = arith.constant 0 : i32
    %dma_start3A_35 = tpu.memref_slice %arg5[%dma_start3A_28, %dma_start3A_34] : memref<180x128xi32, #tpu.memory_space<vmem>> -> memref<1x128xi32, #tpu.memory_space<vmem>>
    %dma_start3A_36 = tpu.memref_squeeze %dma_start3A_35 : memref<1x128xi32, #tpu.memory_space<vmem>> -> memref<128xi32, #tpu.memory_space<vmem>>
    %dma_start3A_37 = arith.constant 0 : i32
    %dma_start3A_38 = arith.constant 0 : i32
    %dma_start3A_39 = tpu.memref_slice %arg2[%dma_start3A_37, %dma_start3A_38] : memref<100000x128xf32, #tpu.memory_space<hbm>> -> memref<100000x128xf32, #tpu.memory_space<hbm>>
    tpu.enqueue_indirect_dma source(%dma_start3A_39 : memref<100000x128xf32, #tpu.memory_space<hbm>>) target(%dma_start3A_33 : memref<128x128xf32, #tpu.memory_space<vmem>>) offsets(%dma_start3A_36 : memref<128xi32, #tpu.memory_space<vmem>>) semaphore(%arg9 : memref<!tpu.dma_semaphore, #tpu.memory_space<semaphore_mem>>)
    %dma_wait3A = arith.constant 0 : i32
    %dma_wait3A_40 = arith.constant 0 : i32
    %dma_wait3A_41 = arith.constant 0 : i32
    %dma_wait3A_42 = tpu.memref_slice %arg6[%dma_wait3A, %dma_wait3A_40, %dma_wait3A_41] : memref<6x128x128xf32, #tpu.memory_space<vmem>> -> memref<1x128x128xf32, #tpu.memory_space<vmem>>
    %dma_wait3A_43 = tpu.memref_squeeze %dma_wait3A_42 : memref<1x128x128xf32, #tpu.memory_space<vmem>> -> memref<128x128xf32, #tpu.memory_space<vmem>>
    %dma_wait3A_44 = arith.constant 0 : i32
    %dma_wait3A_45 = arith.constant 0 : i32
    %dma_wait3A_46 = tpu.memref_slice %arg2[%dma_wait3A_44, %dma_wait3A_45] : memref<100000x128xf32, #tpu.memory_space<hbm>> -> memref<128x128xf32, #tpu.memory_space<hbm>>
    %dma_wait3A_47 = arith.constant 0 : i32
    %dma_wait3A_48 = arith.constant 0 : i32
    %dma_wait3A_49 = tpu.memref_slice %arg6[%dma_wait3A, %dma_wait3A_47, %dma_wait3A_48] : memref<6x128x128xf32, #tpu.memory_space<vmem>> -> memref<1x128x128xf32, #tpu.memory_space<vmem>>
    %dma_wait3A_50 = tpu.memref_squeeze %dma_wait3A_49 : memref<1x128x128xf32, #tpu.memory_space<vmem>> -> memref<128x128xf32, #tpu.memory_space<vmem>>
    %dma_wait3A_51 = arith.constant 0 : i32
    %dma_wait3A_52 = arith.constant 0 : i32
    %dma_wait3A_53 = tpu.memref_slice %arg2[%dma_wait3A_51, %dma_wait3A_52] : memref<100000x128xf32, #tpu.memory_space<hbm>> -> memref<128x128xf32, #tpu.memory_space<hbm>>
    tpu.wait_dma2 semaphore(%arg7 : memref<!tpu.dma_semaphore, #tpu.memory_space<semaphore_mem>>) src(%dma_wait3A_53 : memref<128x128xf32, #tpu.memory_space<hbm>>) dst(%dma_wait3A_50 : memref<128x128xf32, #tpu.memory_space<vmem>>)
    %add3A_54 = arith.constant 0 : i32
    %add3A_55 = arith.addi %mul3A_4, %add3A_54 : i32
    %dma_start3A_56 = arith.constant 0 : i32
    %dma_start3A_57 = arith.constant 0 : i32
    %dma_start3A_58 = arith.constant 0 : i32
    %dma_start3A_59 = tpu.memref_slice %arg6[%dma_start3A_56, %dma_start3A_57, %dma_start3A_58] : memref<6x128x128xf32, #tpu.memory_space<vmem>> -> memref<1x128x128xf32, #tpu.memory_space<vmem>>
    %dma_start3A_60 = tpu.memref_squeeze %dma_start3A_59 : memref<1x128x128xf32, #tpu.memory_space<vmem>> -> memref<128x128xf32, #tpu.memory_space<vmem>>
    %dma_start3A_61 = arith.constant 0 : i32
    %dma_start3A_62 = tpu.memref_slice %arg4[%add3A_55, %dma_start3A_61] : memref<737280x128xf32, #tpu.memory_space<hbm>> -> memref<128x128xf32, #tpu.memory_space<hbm>>
    %dma_start3A_63 = arith.constant 0 : i32
    %dma_start3A_64 = tpu.memref_slice %arg4[%add3A_55, %dma_start3A_63] : memref<737280x128xf32, #tpu.memory_space<hbm>> -> memref<128x128xf32, #tpu.memory_space<hbm>>
    %dma_start3A_65 = arith.constant 0 : i32
    %dma_start3A_66 = arith.constant 0 : i32
    %dma_start3A_67 = tpu.memref_slice %arg6[%dma_start3A_56, %dma_start3A_65, %dma_start3A_66] : memref<6x128x128xf32, #tpu.memory_space<vmem>> -> memref<1x128x128xf32, #tpu.memory_space<vmem>>
    %dma_start3A_68 = tpu.memref_squeeze %dma_start3A_67 : memref<1x128x128xf32, #tpu.memory_space<vmem>> -> memref<128x128xf32, #tpu.memory_space<vmem>>
    tpu.enqueue_dma source(%dma_start3A_68 : memref<128x128xf32, #tpu.memory_space<vmem>>) target(%dma_start3A_64 : memref<128x128xf32, #tpu.memory_space<hbm>>) target_semaphore(%arg13 : memref<!tpu.dma_semaphore, #tpu.memory_space<semaphore_mem>>)
    %dma_start3A_69 = arith.constant 3 : i32
    %dma_start3A_70 = arith.constant 3 : i32
    %dma_start3A_71 = arith.constant 0 : i32
    %dma_start3A_72 = arith.constant 0 : i32
    %dma_start3A_73 = tpu.memref_slice %arg6[%dma_start3A_70, %dma_start3A_71, %dma_start3A_72] : memref<6x128x128xf32, #tpu.memory_space<vmem>> -> memref<1x128x128xf32, #tpu.memory_space<vmem>>
    %dma_start3A_74 = tpu.memref_squeeze %dma_start3A_73 : memref<1x128x128xf32, #tpu.memory_space<vmem>> -> memref<128x128xf32, #tpu.memory_space<vmem>>
    %dma_start3A_75 = arith.constant 0 : i32
    %dma_start3A_76 = tpu.memref_slice %arg5[%dma_start3A_69, %dma_start3A_75] : memref<180x128xi32, #tpu.memory_space<vmem>> -> memref<1x128xi32, #tpu.memory_space<vmem>>
    %dma_start3A_77 = tpu.memref_squeeze %dma_start3A_76 : memref<1x128xi32, #tpu.memory_space<vmem>> -> memref<128xi32, #tpu.memory_space<vmem>>
    %dma_start3A_78 = arith.constant 0 : i32
    %dma_start3A_79 = arith.constant 0 : i32
    %dma_start3A_80 = tpu.memref_slice %arg2[%dma_start3A_78, %dma_start3A_79] : memref<100000x128xf32, #tpu.memory_space<hbm>> -> memref<100000x128xf32, #tpu.memory_space<hbm>>
    tpu.enqueue_indirect_dma source(%dma_start3A_80 : memref<100000x128xf32, #tpu.memory_space<hbm>>) target(%dma_start3A_74 : memref<128x128xf32, #tpu.memory_space<vmem>>) offsets(%dma_start3A_77 : memref<128xi32, #tpu.memory_space<vmem>>) semaphore(%arg10 : memref<!tpu.dma_semaphore, #tpu.memory_space<semaphore_mem>>)
    %dma_wait3A_81 = arith.constant 1 : i32
    %dma_wait3A_82 = arith.constant 0 : i32
    %dma_wait3A_83 = arith.constant 0 : i32
    %dma_wait3A_84 = tpu.memref_slice %arg6[%dma_wait3A_81, %dma_wait3A_82, %dma_wait3A_83] : memref<6x128x128xf32, #tpu.memory_space<vmem>> -> memref<1x128x128xf32, #tpu.memory_space<vmem>>
    %dma_wait3A_85 = tpu.memref_squeeze %dma_wait3A_84 : memref<1x128x128xf32, #tpu.memory_space<vmem>> -> memref<128x128xf32, #tpu.memory_space<vmem>>
    %dma_wait3A_86 = arith.constant 0 : i32
    %dma_wait3A_87 = arith.constant 0 : i32
    %dma_wait3A_88 = tpu.memref_slice %arg2[%dma_wait3A_86, %dma_wait3A_87] : memref<100000x128xf32, #tpu.memory_space<hbm>> -> memref<128x128xf32, #tpu.memory_space<hbm>>
    %dma_wait3A_89 = arith.constant 0 : i32
    %dma_wait3A_90 = arith.constant 0 : i32
    %dma_wait3A_91 = tpu.memref_slice %arg6[%dma_wait3A_81, %dma_wait3A_89, %dma_wait3A_90] : memref<6x128x128xf32, #tpu.memory_space<vmem>> -> memref<1x128x128xf32, #tpu.memory_space<vmem>>
    %dma_wait3A_92 = tpu.memref_squeeze %dma_wait3A_91 : memref<1x128x128xf32, #tpu.memory_space<vmem>> -> memref<128x128xf32, #tpu.memory_space<vmem>>
    %dma_wait3A_93 = arith.constant 0 : i32
    %dma_wait3A_94 = arith.constant 0 : i32
    %dma_wait3A_95 = tpu.memref_slice %arg2[%dma_wait3A_93, %dma_wait3A_94] : memref<100000x128xf32, #tpu.memory_space<hbm>> -> memref<128x128xf32, #tpu.memory_space<hbm>>
    tpu.wait_dma2 semaphore(%arg8 : memref<!tpu.dma_semaphore, #tpu.memory_space<semaphore_mem>>) src(%dma_wait3A_95 : memref<128x128xf32, #tpu.memory_space<hbm>>) dst(%dma_wait3A_92 : memref<128x128xf32, #tpu.memory_space<vmem>>)
    %add3A_96 = arith.constant 128 : i32
    %add3A_97 = arith.addi %mul3A_4, %add3A_96 : i32
    %dma_start3A_98 = arith.constant 1 : i32
    %dma_start3A_99 = arith.constant 0 : i32
    %dma_start3A_100 = arith.constant 0 : i32
    %dma_start3A_101 = tpu.memref_slice %arg6[%dma_start3A_98, %dma_start3A_99, %dma_start3A_100] : memref<6x128x128xf32, #tpu.memory_space<vmem>> -> memref<1x128x128xf32, #tpu.memory_space<vmem>>
    %dma_start3A_102 = tpu.memref_squeeze %dma_start3A_101 : memref<1x128x128xf32, #tpu.memory_space<vmem>> -> memref<128x128xf32, #tpu.memory_space<vmem>>
    %dma_start3A_103 = arith.constant 0 : i32
    %dma_start3A_104 = tpu.memref_slice %arg4[%add3A_97, %dma_start3A_103] : memref<737280x128xf32, #tpu.memory_space<hbm>> -> memref<128x128xf32, #tpu.memory_space<hbm>>
    %dma_start3A_105 = arith.constant 0 : i32
    %dma_start3A_106 = tpu.memref_slice %arg4[%add3A_97, %dma_start3A_105] : memref<737280x128xf32, #tpu.memory_space<hbm>> -> memref<128x128xf32, #tpu.memory_space<hbm>>
    %dma_start3A_107 = arith.constant 0 : i32
    %dma_start3A_108 = arith.constant 0 : i32
    %dma_start3A_109 = tpu.memref_slice %arg6[%dma_start3A_98, %dma_start3A_107, %dma_start3A_108] : memref<6x128x128xf32, #tpu.memory_space<vmem>> -> memref<1x128x128xf32, #tpu.memory_space<vmem>>
    %dma_start3A_110 = tpu.memref_squeeze %dma_start3A_109 : memref<1x128x128xf32, #tpu.memory_space<vmem>> -> memref<128x128xf32, #tpu.memory_space<vmem>>
    tpu.enqueue_dma source(%dma_start3A_110 : memref<128x128xf32, #tpu.memory_space<vmem>>) target(%dma_start3A_106 : memref<128x128xf32, #tpu.memory_space<hbm>>) target_semaphore(%arg14 : memref<!tpu.dma_semaphore, #tpu.memory_space<semaphore_mem>>)
    %dma_start3A_111 = arith.constant 4 : i32
    %dma_start3A_112 = arith.constant 4 : i32
    %dma_start3A_113 = arith.constant 0 : i32
    %dma_start3A_114 = arith.constant 0 : i32
    %dma_start3A_115 = tpu.memref_slice %arg6[%dma_start3A_112, %dma_start3A_113, %dma_start3A_114] : memref<6x128x128xf32, #tpu.memory_space<vmem>> -> memref<1x128x128xf32, #tpu.memory_space<vmem>>
    %dma_start3A_116 = tpu.memref_squeeze %dma_start3A_115 : memref<1x128x128xf32, #tpu.memory_space<vmem>> -> memref<128x128xf32, #tpu.memory_space<vmem>>
    %dma_start3A_117 = arith.constant 0 : i32
    %dma_start3A_118 = tpu.memref_slice %arg5[%dma_start3A_111, %dma_start3A_117] : memref<180x128xi32, #tpu.memory_space<vmem>> -> memref<1x128xi32, #tpu.memory_space<vmem>>
    %dma_start3A_119 = tpu.memref_squeeze %dma_start3A_118 : memref<1x128xi32, #tpu.memory_space<vmem>> -> memref<128xi32, #tpu.memory_space<vmem>>
    %dma_start3A_120 = arith.constant 0 : i32
    %dma_start3A_121 = arith.constant 0 : i32
    %dma_start3A_122 = tpu.memref_slice %arg2[%dma_start3A_120, %dma_start3A_121] : memref<100000x128xf32, #tpu.memory_space<hbm>> -> memref<100000x128xf32, #tpu.memory_space<hbm>>
    tpu.enqueue_indirect_dma source(%dma_start3A_122 : memref<100000x128xf32, #tpu.memory_space<hbm>>) target(%dma_start3A_116 : memref<128x128xf32, #tpu.memory_space<vmem>>) offsets(%dma_start3A_119 : memref<128xi32, #tpu.memory_space<vmem>>) semaphore(%arg11 : memref<!tpu.dma_semaphore, #tpu.memory_space<semaphore_mem>>)
    %dma_wait3A_123 = arith.constant 2 : i32
    %dma_wait3A_124 = arith.constant 0 : i32
    %dma_wait3A_125 = arith.constant 0 : i32
    %dma_wait3A_126 = tpu.memref_slice %arg6[%dma_wait3A_123, %dma_wait3A_124, %dma_wait3A_125] : memref<6x128x128xf32, #tpu.memory_space<vmem>> -> memref<1x128x128xf32, #tpu.memory_space<vmem>>
    %dma_wait3A_127 = tpu.memref_squeeze %dma_wait3A_126 : memref<1x128x128xf32, #tpu.memory_space<vmem>> -> memref<128x128xf32, #tpu.memory_space<vmem>>
    %dma_wait3A_128 = arith.constant 0 : i32
    %dma_wait3A_129 = arith.constant 0 : i32
    %dma_wait3A_130 = tpu.memref_slice %arg2[%dma_wait3A_128, %dma_wait3A_129] : memref<100000x128xf32, #tpu.memory_space<hbm>> -> memref<128x128xf32, #tpu.memory_space<hbm>>
    %dma_wait3A_131 = arith.constant 0 : i32
    %dma_wait3A_132 = arith.constant 0 : i32
    %dma_wait3A_133 = tpu.memref_slice %arg6[%dma_wait3A_123, %dma_wait3A_131, %dma_wait3A_132] : memref<6x128x128xf32, #tpu.memory_space<vmem>> -> memref<1x128x128xf32, #tpu.memory_space<vmem>>
    %dma_wait3A_134 = tpu.memref_squeeze %dma_wait3A_133 : memref<1x128x128xf32, #tpu.memory_space<vmem>> -> memref<128x128xf32, #tpu.memory_space<vmem>>
    %dma_wait3A_135 = arith.constant 0 : i32
    %dma_wait3A_136 = arith.constant 0 : i32
    %dma_wait3A_137 = tpu.memref_slice %arg2[%dma_wait3A_135, %dma_wait3A_136] : memref<100000x128xf32, #tpu.memory_space<hbm>> -> memref<128x128xf32, #tpu.memory_space<hbm>>
    tpu.wait_dma2 semaphore(%arg9 : memref<!tpu.dma_semaphore, #tpu.memory_space<semaphore_mem>>) src(%dma_wait3A_137 : memref<128x128xf32, #tpu.memory_space<hbm>>) dst(%dma_wait3A_134 : memref<128x128xf32, #tpu.memory_space<vmem>>)
    %add3A_138 = arith.constant 256 : i32
    %add3A_139 = arith.addi %mul3A_4, %add3A_138 : i32
    %dma_start3A_140 = arith.constant 2 : i32
    %dma_start3A_141 = arith.constant 0 : i32
    %dma_start3A_142 = arith.constant 0 : i32
    %dma_start3A_143 = tpu.memref_slice %arg6[%dma_start3A_140, %dma_start3A_141, %dma_start3A_142] : memref<6x128x128xf32, #tpu.memory_space<vmem>> -> memref<1x128x128xf32, #tpu.memory_space<vmem>>
    %dma_start3A_144 = tpu.memref_squeeze %dma_start3A_143 : memref<1x128x128xf32, #tpu.memory_space<vmem>> -> memref<128x128xf32, #tpu.memory_space<vmem>>
    %dma_start3A_145 = arith.constant 0 : i32
    %dma_start3A_146 = tpu.memref_slice %arg4[%add3A_139, %dma_start3A_145] : memref<737280x128xf32, #tpu.memory_space<hbm>> -> memref<128x128xf32, #tpu.memory_space<hbm>>
    %dma_start3A_147 = arith.constant 0 : i32
    %dma_start3A_148 = tpu.memref_slice %arg4[%add3A_139, %dma_start3A_147] : memref<737280x128xf32, #tpu.memory_space<hbm>> -> memref<128x128xf32, #tpu.memory_space<hbm>>
    %dma_start3A_149 = arith.constant 0 : i32
    %dma_start3A_150 = arith.constant 0 : i32
    %dma_start3A_151 = tpu.memref_slice %arg6[%dma_start3A_140, %dma_start3A_149, %dma_start3A_150] : memref<6x128x128xf32, #tpu.memory_space<vmem>> -> memref<1x128x128xf32, #tpu.memory_space<vmem>>
    %dma_start3A_152 = tpu.memref_squeeze %dma_start3A_151 : memref<1x128x128xf32, #tpu.memory_space<vmem>> -> memref<128x128xf32, #tpu.memory_space<vmem>>
    tpu.enqueue_dma source(%dma_start3A_152 : memref<128x128xf32, #tpu.memory_space<vmem>>) target(%dma_start3A_148 : memref<128x128xf32, #tpu.memory_space<hbm>>) target_semaphore(%arg15 : memref<!tpu.dma_semaphore, #tpu.memory_space<semaphore_mem>>)
    %dma_start3A_153 = arith.constant 5 : i32
    %dma_start3A_154 = arith.constant 5 : i32
    %dma_start3A_155 = arith.constant 0 : i32
    %dma_start3A_156 = arith.constant 0 : i32
    %dma_start3A_157 = tpu.memref_slice %arg6[%dma_start3A_154, %dma_start3A_155, %dma_start3A_156] : memref<6x128x128xf32, #tpu.memory_space<vmem>> -> memref<1x128x128xf32, #tpu.memory_space<vmem>>
    %dma_start3A_158 = tpu.memref_squeeze %dma_start3A_157 : memref<1x128x128xf32, #tpu.memory_space<vmem>> -> memref<128x128xf32, #tpu.memory_space<vmem>>
    %dma_start3A_159 = arith.constant 0 : i32
    %dma_start3A_160 = tpu.memref_slice %arg5[%dma_start3A_153, %dma_start3A_159] : memref<180x128xi32, #tpu.memory_space<vmem>> -> memref<1x128xi32, #tpu.memory_space<vmem>>
    %dma_start3A_161 = tpu.memref_squeeze %dma_start3A_160 : memref<1x128xi32, #tpu.memory_space<vmem>> -> memref<128xi32, #tpu.memory_space<vmem>>
    %dma_start3A_162 = arith.constant 0 : i32
    %dma_start3A_163 = arith.constant 0 : i32
    %dma_start3A_164 = tpu.memref_slice %arg2[%dma_start3A_162, %dma_start3A_163] : memref<100000x128xf32, #tpu.memory_space<hbm>> -> memref<100000x128xf32, #tpu.memory_space<hbm>>
    tpu.enqueue_indirect_dma source(%dma_start3A_164 : memref<100000x128xf32, #tpu.memory_space<hbm>>) target(%dma_start3A_158 : memref<128x128xf32, #tpu.memory_space<vmem>>) offsets(%dma_start3A_161 : memref<128xi32, #tpu.memory_space<vmem>>) semaphore(%arg12 : memref<!tpu.dma_semaphore, #tpu.memory_space<semaphore_mem>>)
    %dma_wait3A_165 = arith.constant 3 : i32
    %dma_wait3A_166 = arith.constant 0 : i32
    %dma_wait3A_167 = arith.constant 0 : i32
    %dma_wait3A_168 = tpu.memref_slice %arg6[%dma_wait3A_165, %dma_wait3A_166, %dma_wait3A_167] : memref<6x128x128xf32, #tpu.memory_space<vmem>> -> memref<1x128x128xf32, #tpu.memory_space<vmem>>
    %dma_wait3A_169 = tpu.memref_squeeze %dma_wait3A_168 : memref<1x128x128xf32, #tpu.memory_space<vmem>> -> memref<128x128xf32, #tpu.memory_space<vmem>>
    %dma_wait3A_170 = arith.constant 0 : i32
    %dma_wait3A_171 = arith.constant 0 : i32
    %dma_wait3A_172 = tpu.memref_slice %arg2[%dma_wait3A_170, %dma_wait3A_171] : memref<100000x128xf32, #tpu.memory_space<hbm>> -> memref<128x128xf32, #tpu.memory_space<hbm>>
    %dma_wait3A_173 = arith.constant 0 : i32
    %dma_wait3A_174 = arith.constant 0 : i32
    %dma_wait3A_175 = tpu.memref_slice %arg6[%dma_wait3A_165, %dma_wait3A_173, %dma_wait3A_174] : memref<6x128x128xf32, #tpu.memory_space<vmem>> -> memref<1x128x128xf32, #tpu.memory_space<vmem>>
    %dma_wait3A_176 = tpu.memref_squeeze %dma_wait3A_175 : memref<1x128x128xf32, #tpu.memory_space<vmem>> -> memref<128x128xf32, #tpu.memory_space<vmem>>
    %dma_wait3A_177 = arith.constant 0 : i32
    %dma_wait3A_178 = arith.constant 0 : i32
    %dma_wait3A_179 = tpu.memref_slice %arg2[%dma_wait3A_177, %dma_wait3A_178] : memref<100000x128xf32, #tpu.memory_space<hbm>> -> memref<128x128xf32, #tpu.memory_space<hbm>>
    tpu.wait_dma2 semaphore(%arg10 : memref<!tpu.dma_semaphore, #tpu.memory_space<semaphore_mem>>) src(%dma_wait3A_179 : memref<128x128xf32, #tpu.memory_space<hbm>>) dst(%dma_wait3A_176 : memref<128x128xf32, #tpu.memory_space<vmem>>)
    %add3A_180 = arith.constant 384 : i32
    %add3A_181 = arith.addi %mul3A_4, %add3A_180 : i32
    %dma_start3A_182 = arith.constant 3 : i32
    %dma_start3A_183 = arith.constant 0 : i32
    %dma_start3A_184 = arith.constant 0 : i32
    %dma_start3A_185 = tpu.memref_slice %arg6[%dma_start3A_182, %dma_start3A_183, %dma_start3A_184] : memref<6x128x128xf32, #tpu.memory_space<vmem>> -> memref<1x128x128xf32, #tpu.memory_space<vmem>>
    %dma_start3A_186 = tpu.memref_squeeze %dma_start3A_185 : memref<1x128x128xf32, #tpu.memory_space<vmem>> -> memref<128x128xf32, #tpu.memory_space<vmem>>
    %dma_start3A_187 = arith.constant 0 : i32
    %dma_start3A_188 = tpu.memref_slice %arg4[%add3A_181, %dma_start3A_187] : memref<737280x128xf32, #tpu.memory_space<hbm>> -> memref<128x128xf32, #tpu.memory_space<hbm>>
    %dma_start3A_189 = arith.constant 0 : i32
    %dma_start3A_190 = tpu.memref_slice %arg4[%add3A_181, %dma_start3A_189] : memref<737280x128xf32, #tpu.memory_space<hbm>> -> memref<128x128xf32, #tpu.memory_space<hbm>>
    %dma_start3A_191 = arith.constant 0 : i32
    %dma_start3A_192 = arith.constant 0 : i32
    %dma_start3A_193 = tpu.memref_slice %arg6[%dma_start3A_182, %dma_start3A_191, %dma_start3A_192] : memref<6x128x128xf32, #tpu.memory_space<vmem>> -> memref<1x128x128xf32, #tpu.memory_space<vmem>>
    %dma_start3A_194 = tpu.memref_squeeze %dma_start3A_193 : memref<1x128x128xf32, #tpu.memory_space<vmem>> -> memref<128x128xf32, #tpu.memory_space<vmem>>
    tpu.enqueue_dma source(%dma_start3A_194 : memref<128x128xf32, #tpu.memory_space<vmem>>) target(%dma_start3A_190 : memref<128x128xf32, #tpu.memory_space<hbm>>) target_semaphore(%arg16 : memref<!tpu.dma_semaphore, #tpu.memory_space<semaphore_mem>>)
    %dma_wait3A_195 = arith.constant 0 : i32
    %dma_wait3A_196 = arith.constant 0 : i32
    %dma_wait3A_197 = arith.constant 0 : i32
    %dma_wait3A_198 = tpu.memref_slice %arg6[%dma_wait3A_195, %dma_wait3A_196, %dma_wait3A_197] : memref<6x128x128xf32, #tpu.memory_space<vmem>> -> memref<1x128x128xf32, #tpu.memory_space<vmem>>
    %dma_wait3A_199 = tpu.memref_squeeze %dma_wait3A_198 : memref<1x128x128xf32, #tpu.memory_space<vmem>> -> memref<128x128xf32, #tpu.memory_space<vmem>>
    %dma_wait3A_200 = arith.constant 0 : i32
    %dma_wait3A_201 = arith.constant 0 : i32
    %dma_wait3A_202 = tpu.memref_slice %arg4[%dma_wait3A_200, %dma_wait3A_201] : memref<737280x128xf32, #tpu.memory_space<hbm>> -> memref<128x128xf32, #tpu.memory_space<hbm>>
    %dma_wait3A_203 = arith.constant 0 : i32
    %dma_wait3A_204 = arith.constant 0 : i32
    %dma_wait3A_205 = tpu.memref_slice %arg4[%dma_wait3A_203, %dma_wait3A_204] : memref<737280x128xf32, #tpu.memory_space<hbm>> -> memref<128x128xf32, #tpu.memory_space<hbm>>
    %dma_wait3A_206 = arith.constant 0 : i32
    %dma_wait3A_207 = arith.constant 0 : i32
    %dma_wait3A_208 = tpu.memref_slice %arg6[%dma_wait3A_195, %dma_wait3A_206, %dma_wait3A_207] : memref<6x128x128xf32, #tpu.memory_space<vmem>> -> memref<1x128x128xf32, #tpu.memory_space<vmem>>
    %dma_wait3A_209 = tpu.memref_squeeze %dma_wait3A_208 : memref<1x128x128xf32, #tpu.memory_space<vmem>> -> memref<128x128xf32, #tpu.memory_space<vmem>>
    tpu.wait_dma2 semaphore(%arg13 : memref<!tpu.dma_semaphore, #tpu.memory_space<semaphore_mem>>) src(%dma_wait3A_209 : memref<128x128xf32, #tpu.memory_space<vmem>>) dst(%dma_wait3A_205 : memref<128x128xf32, #tpu.memory_space<hbm>>)
    %dma_start3A_210 = arith.constant 6 : i32
    %dma_start3A_211 = arith.constant 0 : i32
    %dma_start3A_212 = arith.constant 0 : i32
    %dma_start3A_213 = arith.constant 0 : i32
    %dma_start3A_214 = tpu.memref_slice %arg6[%dma_start3A_211, %dma_start3A_212, %dma_start3A_213] : memref<6x128x128xf32, #tpu.memory_space<vmem>> -> memref<1x128x128xf32, #tpu.memory_space<vmem>>
    %dma_start3A_215 = tpu.memref_squeeze %dma_start3A_214 : memref<1x128x128xf32, #tpu.memory_space<vmem>> -> memref<128x128xf32, #tpu.memory_space<vmem>>
    %dma_start3A_216 = arith.constant 0 : i32
    %dma_start3A_217 = tpu.memref_slice %arg5[%dma_start3A_210, %dma_start3A_216] : memref<180x128xi32, #tpu.memory_space<vmem>> -> memref<1x128xi32, #tpu.memory_space<vmem>>
    %dma_start3A_218 = tpu.memref_squeeze %dma_start3A_217 : memref<1x128xi32, #tpu.memory_space<vmem>> -> memref<128xi32, #tpu.memory_space<vmem>>
    %dma_start3A_219 = arith.constant 0 : i32
    %dma_start3A_220 = arith.constant 0 : i32
    %dma_start3A_221 = tpu.memref_slice %arg2[%dma_start3A_219, %dma_start3A_220] : memref<100000x128xf32, #tpu.memory_space<hbm>> -> memref<100000x128xf32, #tpu.memory_space<hbm>>
    tpu.enqueue_indirect_dma source(%dma_start3A_221 : memref<100000x128xf32, #tpu.memory_space<hbm>>) target(%dma_start3A_215 : memref<128x128xf32, #tpu.memory_space<vmem>>) offsets(%dma_start3A_218 : memref<128xi32, #tpu.memory_space<vmem>>) semaphore(%arg7 : memref<!tpu.dma_semaphore, #tpu.memory_space<semaphore_mem>>)
    %dma_wait3A_222 = arith.constant 4 : i32
    %dma_wait3A_223 = arith.constant 0 : i32
    %dma_wait3A_224 = arith.constant 0 : i32
    %dma_wait3A_225 = tpu.memref_slice %arg6[%dma_wait3A_222, %dma_wait3A_223, %dma_wait3A_224] : memref<6x128x128xf32, #tpu.memory_space<vmem>> -> memref<1x128x128xf32, #tpu.memory_space<vmem>>
    %dma_wait3A_226 = tpu.memref_squeeze %dma_wait3A_225 : memref<1x128x128xf32, #tpu.memory_space<vmem>> -> memref<128x128xf32, #tpu.memory_space<vmem>>
    %dma_wait3A_227 = arith.constant 0 : i32
    %dma_wait3A_228 = arith.constant 0 : i32
    %dma_wait3A_229 = tpu.memref_slice %arg2[%dma_wait3A_227, %dma_wait3A_228] : memref<100000x128xf32, #tpu.memory_space<hbm>> -> memref<128x128xf32, #tpu.memory_space<hbm>>
    %dma_wait3A_230 = arith.constant 0 : i32
    %dma_wait3A_231 = arith.constant 0 : i32
    %dma_wait3A_232 = tpu.memref_slice %arg6[%dma_wait3A_222, %dma_wait3A_230, %dma_wait3A_231] : memref<6x128x128xf32, #tpu.memory_space<vmem>> -> memref<1x128x128xf32, #tpu.memory_space<vmem>>
    %dma_wait3A_233 = tpu.memref_squeeze %dma_wait3A_232 : memref<1x128x128xf32, #tpu.memory_space<vmem>> -> memref<128x128xf32, #tpu.memory_space<vmem>>
    %dma_wait3A_234 = arith.constant 0 : i32
    %dma_wait3A_235 = arith.constant 0 : i32
    %dma_wait3A_236 = tpu.memref_slice %arg2[%dma_wait3A_234, %dma_wait3A_235] : memref<100000x128xf32, #tpu.memory_space<hbm>> -> memref<128x128xf32, #tpu.memory_space<hbm>>
    tpu.wait_dma2 semaphore(%arg11 : memref<!tpu.dma_semaphore, #tpu.memory_space<semaphore_mem>>) src(%dma_wait3A_236 : memref<128x128xf32, #tpu.memory_space<hbm>>) dst(%dma_wait3A_233 : memref<128x128xf32, #tpu.memory_space<vmem>>)
    %add3A_237 = arith.constant 512 : i32
    %add3A_238 = arith.addi %mul3A_4, %add3A_237 : i32
    %dma_start3A_239 = arith.constant 4 : i32
    %dma_start3A_240 = arith.constant 0 : i32
    %dma_start3A_241 = arith.constant 0 : i32
    %dma_start3A_242 = tpu.memref_slice %arg6[%dma_start3A_239, %dma_start3A_240, %dma_start3A_241] : memref<6x128x128xf32, #tpu.memory_space<vmem>> -> memref<1x128x128xf32, #tpu.memory_space<vmem>>
    %dma_start3A_243 = tpu.memref_squeeze %dma_start3A_242 : memref<1x128x128xf32, #tpu.memory_space<vmem>> -> memref<128x128xf32, #tpu.memory_space<vmem>>
    %dma_start3A_244 = arith.constant 0 : i32
    %dma_start3A_245 = tpu.memref_slice %arg4[%add3A_238, %dma_start3A_244] : memref<737280x128xf32, #tpu.memory_space<hbm>> -> memref<128x128xf32, #tpu.memory_space<hbm>>
    %dma_start3A_246 = arith.constant 0 : i32
    %dma_start3A_247 = tpu.memref_slice %arg4[%add3A_238, %dma_start3A_246] : memref<737280x128xf32, #tpu.memory_space<hbm>> -> memref<128x128xf32, #tpu.memory_space<hbm>>
    %dma_start3A_248 = arith.constant 0 : i32
    %dma_start3A_249 = arith.constant 0 : i32
    %dma_start3A_250 = tpu.memref_slice %arg6[%dma_start3A_239, %dma_start3A_248, %dma_start3A_249] : memref<6x128x128xf32, #tpu.memory_space<vmem>> -> memref<1x128x128xf32, #tpu.memory_space<vmem>>
    %dma_start3A_251 = tpu.memref_squeeze %dma_start3A_250 : memref<1x128x128xf32, #tpu.memory_space<vmem>> -> memref<128x128xf32, #tpu.memory_space<vmem>>
    tpu.enqueue_dma source(%dma_start3A_251 : memref<128x128xf32, #tpu.memory_space<vmem>>) target(%dma_start3A_247 : memref<128x128xf32, #tpu.memory_space<hbm>>) target_semaphore(%arg17 : memref<!tpu.dma_semaphore, #tpu.memory_space<semaphore_mem>>)
    %dma_wait3A_252 = arith.constant 1 : i32
    %dma_wait3A_253 = arith.constant 0 : i32
    %dma_wait3A_254 = arith.constant 0 : i32
    %dma_wait3A_255 = tpu.memref_slice %arg6[%dma_wait3A_252, %dma_wait3A_253, %dma_wait3A_254] : memref<6x128x128xf32, #tpu.memory_space<vmem>> -> memref<1x128x128xf32, #tpu.memory_space<vmem>>
    %dma_wait3A_256 = tpu.memref_squeeze %dma_wait3A_255 : memref<1x128x128xf32, #tpu.memory_space<vmem>> -> memref<128x128xf32, #tpu.memory_space<vmem>>
    %dma_wait3A_257 = arith.constant 0 : i32
    %dma_wait3A_258 = arith.constant 0 : i32
    %dma_wait3A_259 = tpu.memref_slice %arg4[%dma_wait3A_257, %dma_wait3A_258] : memref<737280x128xf32, #tpu.memory_space<hbm>> -> memref<128x128xf32, #tpu.memory_space<hbm>>
    %dma_wait3A_260 = arith.constant 0 : i32
    %dma_wait3A_261 = arith.constant 0 : i32
    %dma_wait3A_262 = tpu.memref_slice %arg4[%dma_wait3A_260, %dma_wait3A_261] : memref<737280x128xf32, #tpu.memory_space<hbm>> -> memref<128x128xf32, #tpu.memory_space<hbm>>
    %dma_wait3A_263 = arith.constant 0 : i32
    %dma_wait3A_264 = arith.constant 0 : i32
    %dma_wait3A_265 = tpu.memref_slice %arg6[%dma_wait3A_252, %dma_wait3A_263, %dma_wait3A_264] : memref<6x128x128xf32, #tpu.memory_space<vmem>> -> memref<1x128x128xf32, #tpu.memory_space<vmem>>
    %dma_wait3A_266 = tpu.memref_squeeze %dma_wait3A_265 : memref<1x128x128xf32, #tpu.memory_space<vmem>> -> memref<128x128xf32, #tpu.memory_space<vmem>>
    tpu.wait_dma2 semaphore(%arg14 : memref<!tpu.dma_semaphore, #tpu.memory_space<semaphore_mem>>) src(%dma_wait3A_266 : memref<128x128xf32, #tpu.memory_space<vmem>>) dst(%dma_wait3A_262 : memref<128x128xf32, #tpu.memory_space<hbm>>)
    %dma_start3A_267 = arith.constant 7 : i32
    %dma_start3A_268 = arith.constant 1 : i32
    %dma_start3A_269 = arith.constant 0 : i32
    %dma_start3A_270 = arith.constant 0 : i32
    %dma_start3A_271 = tpu.memref_slice %arg6[%dma_start3A_268, %dma_start3A_269, %dma_start3A_270] : memref<6x128x128xf32, #tpu.memory_space<vmem>> -> memref<1x128x128xf32, #tpu.memory_space<vmem>>
    %dma_start3A_272 = tpu.memref_squeeze %dma_start3A_271 : memref<1x128x128xf32, #tpu.memory_space<vmem>> -> memref<128x128xf32, #tpu.memory_space<vmem>>
    %dma_start3A_273 = arith.constant 0 : i32
    %dma_start3A_274 = tpu.memref_slice %arg5[%dma_start3A_267, %dma_start3A_273] : memref<180x128xi32, #tpu.memory_space<vmem>> -> memref<1x128xi32, #tpu.memory_space<vmem>>
    %dma_start3A_275 = tpu.memref_squeeze %dma_start3A_274 : memref<1x128xi32, #tpu.memory_space<vmem>> -> memref<128xi32, #tpu.memory_space<vmem>>
    %dma_start3A_276 = arith.constant 0 : i32
    %dma_start3A_277 = arith.constant 0 : i32
    %dma_start3A_278 = tpu.memref_slice %arg2[%dma_start3A_276, %dma_start3A_277] : memref<100000x128xf32, #tpu.memory_space<hbm>> -> memref<100000x128xf32, #tpu.memory_space<hbm>>
    tpu.enqueue_indirect_dma source(%dma_start3A_278 : memref<100000x128xf32, #tpu.memory_space<hbm>>) target(%dma_start3A_272 : memref<128x128xf32, #tpu.memory_space<vmem>>) offsets(%dma_start3A_275 : memref<128xi32, #tpu.memory_space<vmem>>) semaphore(%arg8 : memref<!tpu.dma_semaphore, #tpu.memory_space<semaphore_mem>>)
    %dma_wait3A_279 = arith.constant 5 : i32
    %dma_wait3A_280 = arith.constant 0 : i32
    %dma_wait3A_281 = arith.constant 0 : i32
    %dma_wait3A_282 = tpu.memref_slice %arg6[%dma_wait3A_279, %dma_wait3A_280, %dma_wait3A_281] : memref<6x128x128xf32, #tpu.memory_space<vmem>> -> memref<1x128x128xf32, #tpu.memory_space<vmem>>
    %dma_wait3A_283 = tpu.memref_squeeze %dma_wait3A_282 : memref<1x128x128xf32, #tpu.memory_space<vmem>> -> memref<128x128xf32, #tpu.memory_space<vmem>>
    %dma_wait3A_284 = arith.constant 0 : i32
    %dma_wait3A_285 = arith.constant 0 : i32
    %dma_wait3A_286 = tpu.memref_slice %arg2[%dma_wait3A_284, %dma_wait3A_285] : memref<100000x128xf32, #tpu.memory_space<hbm>> -> memref<128x128xf32, #tpu.memory_space<hbm>>
    %dma_wait3A_287 = arith.constant 0 : i32
    %dma_wait3A_288 = arith.constant 0 : i32
    %dma_wait3A_289 = tpu.memref_slice %arg6[%dma_wait3A_279, %dma_wait3A_287, %dma_wait3A_288] : memref<6x128x128xf32, #tpu.memory_space<vmem>> -> memref<1x128x128xf32, #tpu.memory_space<vmem>>
    %dma_wait3A_290 = tpu.memref_squeeze %dma_wait3A_289 : memref<1x128x128xf32, #tpu.memory_space<vmem>> -> memref<128x128xf32, #tpu.memory_space<vmem>>
    %dma_wait3A_291 = arith.constant 0 : i32
    %dma_wait3A_292 = arith.constant 0 : i32
    %dma_wait3A_293 = tpu.memref_slice %arg2[%dma_wait3A_291, %dma_wait3A_292] : memref<100000x128xf32, #tpu.memory_space<hbm>> -> memref<128x128xf32, #tpu.memory_space<hbm>>
    tpu.wait_dma2 semaphore(%arg12 : memref<!tpu.dma_semaphore, #tpu.memory_space<semaphore_mem>>) src(%dma_wait3A_293 : memref<128x128xf32, #tpu.memory_space<hbm>>) dst(%dma_wait3A_290 : memref<128x128xf32, #tpu.memory_space<vmem>>)
    %add3A_294 = arith.constant 640 : i32
    %add3A_295 = arith.addi %mul3A_4, %add3A_294 : i32
    %dma_start3A_296 = arith.constant 5 : i32
    %dma_start3A_297 = arith.constant 0 : i32
    %dma_start3A_298 = arith.constant 0 : i32
    %dma_start3A_299 = tpu.memref_slice %arg6[%dma_start3A_296, %dma_start3A_297, %dma_start3A_298] : memref<6x128x128xf32, #tpu.memory_space<vmem>> -> memref<1x128x128xf32, #tpu.memory_space<vmem>>
    %dma_start3A_300 = tpu.memref_squeeze %dma_start3A_299 : memref<1x128x128xf32, #tpu.memory_space<vmem>> -> memref<128x128xf32, #tpu.memory_space<vmem>>
    %dma_start3A_301 = arith.constant 0 : i32
    %dma_start3A_302 = tpu.memref_slice %arg4[%add3A_295, %dma_start3A_301] : memref<737280x128xf32, #tpu.memory_space<hbm>> -> memref<128x128xf32, #tpu.memory_space<hbm>>
    %dma_start3A_303 = arith.constant 0 : i32
    %dma_start3A_304 = tpu.memref_slice %arg4[%add3A_295, %dma_start3A_303] : memref<737280x128xf32, #tpu.memory_space<hbm>> -> memref<128x128xf32, #tpu.memory_space<hbm>>
    %dma_start3A_305 = arith.constant 0 : i32
    %dma_start3A_306 = arith.constant 0 : i32
    %dma_start3A_307 = tpu.memref_slice %arg6[%dma_start3A_296, %dma_start3A_305, %dma_start3A_306] : memref<6x128x128xf32, #tpu.memory_space<vmem>> -> memref<1x128x128xf32, #tpu.memory_space<vmem>>
    %dma_start3A_308 = tpu.memref_squeeze %dma_start3A_307 : memref<1x128x128xf32, #tpu.memory_space<vmem>> -> memref<128x128xf32, #tpu.memory_space<vmem>>
    tpu.enqueue_dma source(%dma_start3A_308 : memref<128x128xf32, #tpu.memory_space<vmem>>) target(%dma_start3A_304 : memref<128x128xf32, #tpu.memory_space<hbm>>) target_semaphore(%arg18 : memref<!tpu.dma_semaphore, #tpu.memory_space<semaphore_mem>>)
    %dma_wait3A_309 = arith.constant 2 : i32
    %dma_wait3A_310 = arith.constant 0 : i32
    %dma_wait3A_311 = arith.constant 0 : i32
    %dma_wait3A_312 = tpu.memref_slice %arg6[%dma_wait3A_309, %dma_wait3A_310, %dma_wait3A_311] : memref<6x128x128xf32, #tpu.memory_space<vmem>> -> memref<1x128x128xf32, #tpu.memory_space<vmem>>
    %dma_wait3A_313 = tpu.memref_squeeze %dma_wait3A_312 : memref<1x128x128xf32, #tpu.memory_space<vmem>> -> memref<128x128xf32, #tpu.memory_space<vmem>>
    %dma_wait3A_314 = arith.constant 0 : i32
    %dma_wait3A_315 = arith.constant 0 : i32
    %dma_wait3A_316 = tpu.memref_slice %arg4[%dma_wait3A_314, %dma_wait3A_315] : memref<737280x128xf32, #tpu.memory_space<hbm>> -> memref<128x128xf32, #tpu.memory_space<hbm>>
    %dma_wait3A_317 = arith.constant 0 : i32
    %dma_wait3A_318 = arith.constant 0 : i32
    %dma_wait3A_319 = tpu.memref_slice %arg4[%dma_wait3A_317, %dma_wait3A_318] : memref<737280x128xf32, #tpu.memory_space<hbm>> -> memref<128x128xf32, #tpu.memory_space<hbm>>
    %dma_wait3A_320 = arith.constant 0 : i32
    %dma_wait3A_321 = arith.constant 0 : i32
    %dma_wait3A_322 = tpu.memref_slice %arg6[%dma_wait3A_309, %dma_wait3A_320, %dma_wait3A_321] : memref<6x128x128xf32, #tpu.memory_space<vmem>> -> memref<1x128x128xf32, #tpu.memory_space<vmem>>
    %dma_wait3A_323 = tpu.memref_squeeze %dma_wait3A_322 : memref<1x128x128xf32, #tpu.memory_space<vmem>> -> memref<128x128xf32, #tpu.memory_space<vmem>>
    tpu.wait_dma2 semaphore(%arg15 : memref<!tpu.dma_semaphore, #tpu.memory_space<semaphore_mem>>) src(%dma_wait3A_323 : memref<128x128xf32, #tpu.memory_space<vmem>>) dst(%dma_wait3A_319 : memref<128x128xf32, #tpu.memory_space<hbm>>)
    %dma_start3A_324 = arith.constant 8 : i32
    %dma_start3A_325 = arith.constant 2 : i32
    %dma_start3A_326 = arith.constant 0 : i32
    %dma_start3A_327 = arith.constant 0 : i32
    %dma_start3A_328 = tpu.memref_slice %arg6[%dma_start3A_325, %dma_start3A_326, %dma_start3A_327] : memref<6x128x128xf32, #tpu.memory_space<vmem>> -> memref<1x128x128xf32, #tpu.memory_space<vmem>>
    %dma_start3A_329 = tpu.memref_squeeze %dma_start3A_328 : memref<1x128x128xf32, #tpu.memory_space<vmem>> -> memref<128x128xf32, #tpu.memory_space<vmem>>
    %dma_start3A_330 = arith.constant 0 : i32
    %dma_start3A_331 = tpu.memref_slice %arg5[%dma_start3A_324, %dma_start3A_330] : memref<180x128xi32, #tpu.memory_space<vmem>> -> memref<1x128xi32, #tpu.memory_space<vmem>>
    %dma_start3A_332 = tpu.memref_squeeze %dma_start3A_331 : memref<1x128xi32, #tpu.memory_space<vmem>> -> memref<128xi32, #tpu.memory_space<vmem>>
    %dma_start3A_333 = arith.constant 0 : i32
    %dma_start3A_334 = arith.constant 0 : i32
    %dma_start3A_335 = tpu.memref_slice %arg2[%dma_start3A_333, %dma_start3A_334] : memref<100000x128xf32, #tpu.memory_space<hbm>> -> memref<100000x128xf32, #tpu.memory_space<hbm>>
    tpu.enqueue_indirect_dma source(%dma_start3A_335 : memref<100000x128xf32, #tpu.memory_space<hbm>>) target(%dma_start3A_329 : memref<128x128xf32, #tpu.memory_space<vmem>>) offsets(%dma_start3A_332 : memref<128xi32, #tpu.memory_space<vmem>>) semaphore(%arg9 : memref<!tpu.dma_semaphore, #tpu.memory_space<semaphore_mem>>)
    %scan3A = arith.constant 0 : i32
    %scan3A_336 = arith.constant 1 : i32
    %scan3A_337 = arith.constant 28 : i32
    %scan3A_338 = arith.addi %scan3A_336, %scan3A_337 : i32
    %scan3A_339 = arith.constant 1 : i32
    %scan3A_340 = scf.for %scan3A_693 = %scan3A_336 to %scan3A_338 step %scan3A_339 iter_args(%scan3A_694 = %scan3A) -> (i32)  : i32 {
      %mul3A_695 = arith.constant 6 : i32
      %mul3A_696 = arith.muli %scan3A_693, %mul3A_695 : i32
      %add3A_697 = arith.constant 0 : i32
      %add3A_698 = arith.addi %mul3A_696, %add3A_697 : i32
      %dma_wait3A_699 = arith.constant 0 : i32
      %dma_wait3A_700 = arith.constant 0 : i32
      %dma_wait3A_701 = arith.constant 0 : i32
      %dma_wait3A_702 = tpu.memref_slice %arg6[%dma_wait3A_699, %dma_wait3A_700, %dma_wait3A_701] : memref<6x128x128xf32, #tpu.memory_space<vmem>> -> memref<1x128x128xf32, #tpu.memory_space<vmem>>
      %dma_wait3A_703 = tpu.memref_squeeze %dma_wait3A_702 : memref<1x128x128xf32, #tpu.memory_space<vmem>> -> memref<128x128xf32, #tpu.memory_space<vmem>>
      %dma_wait3A_704 = arith.constant 0 : i32
      %dma_wait3A_705 = arith.constant 0 : i32
      %dma_wait3A_706 = tpu.memref_slice %arg2[%dma_wait3A_704, %dma_wait3A_705] : memref<100000x128xf32, #tpu.memory_space<hbm>> -> memref<128x128xf32, #tpu.memory_space<hbm>>
      %dma_wait3A_707 = arith.constant 0 : i32
      %dma_wait3A_708 = arith.constant 0 : i32
      %dma_wait3A_709 = tpu.memref_slice %arg6[%dma_wait3A_699, %dma_wait3A_707, %dma_wait3A_708] : memref<6x128x128xf32, #tpu.memory_space<vmem>> -> memref<1x128x128xf32, #tpu.memory_space<vmem>>
      %dma_wait3A_710 = tpu.memref_squeeze %dma_wait3A_709 : memref<1x128x128xf32, #tpu.memory_space<vmem>> -> memref<128x128xf32, #tpu.memory_space<vmem>>
      %dma_wait3A_711 = arith.constant 0 : i32
      %dma_wait3A_712 = arith.constant 0 : i32
      %dma_wait3A_713 = tpu.memref_slice %arg2[%dma_wait3A_711, %dma_wait3A_712] : memref<100000x128xf32, #tpu.memory_space<hbm>> -> memref<128x128xf32, #tpu.memory_space<hbm>>
      tpu.wait_dma2 semaphore(%arg7 : memref<!tpu.dma_semaphore, #tpu.memory_space<semaphore_mem>>) src(%dma_wait3A_713 : memref<128x128xf32, #tpu.memory_space<hbm>>) dst(%dma_wait3A_710 : memref<128x128xf32, #tpu.memory_space<vmem>>)
      %mul3A_714 = arith.constant 128 : i32
      %mul3A_715 = arith.muli %add3A_698, %mul3A_714 : i32
      %add3A_716 = arith.addi %mul3A_4, %mul3A_715 : i32
      %dma_start3A_717 = arith.constant 0 : i32
      %dma_start3A_718 = arith.constant 0 : i32
      %dma_start3A_719 = arith.constant 0 : i32
      %dma_start3A_720 = tpu.memref_slice %arg6[%dma_start3A_717, %dma_start3A_718, %dma_start3A_719] : memref<6x128x128xf32, #tpu.memory_space<vmem>> -> memref<1x128x128xf32, #tpu.memory_space<vmem>>
      %dma_start3A_721 = tpu.memref_squeeze %dma_start3A_720 : memref<1x128x128xf32, #tpu.memory_space<vmem>> -> memref<128x128xf32, #tpu.memory_space<vmem>>
      %dma_start3A_722 = arith.constant 0 : i32
      %dma_start3A_723 = tpu.memref_slice %arg4[%add3A_716, %dma_start3A_722] : memref<737280x128xf32, #tpu.memory_space<hbm>> -> memref<128x128xf32, #tpu.memory_space<hbm>>
      %dma_start3A_724 = arith.constant 0 : i32
      %dma_start3A_725 = tpu.memref_slice %arg4[%add3A_716, %dma_start3A_724] : memref<737280x128xf32, #tpu.memory_space<hbm>> -> memref<128x128xf32, #tpu.memory_space<hbm>>
      %dma_start3A_726 = arith.constant 0 : i32
      %dma_start3A_727 = arith.constant 0 : i32
      %dma_start3A_728 = tpu.memref_slice %arg6[%dma_start3A_717, %dma_start3A_726, %dma_start3A_727] : memref<6x128x128xf32, #tpu.memory_space<vmem>> -> memref<1x128x128xf32, #tpu.memory_space<vmem>>
      %dma_start3A_729 = tpu.memref_squeeze %dma_start3A_728 : memref<1x128x128xf32, #tpu.memory_space<vmem>> -> memref<128x128xf32, #tpu.memory_space<vmem>>
      tpu.enqueue_dma source(%dma_start3A_729 : memref<128x128xf32, #tpu.memory_space<vmem>>) target(%dma_start3A_725 : memref<128x128xf32, #tpu.memory_space<hbm>>) target_semaphore(%arg13 : memref<!tpu.dma_semaphore, #tpu.memory_space<semaphore_mem>>)
      %dma_wait3A_730 = arith.constant 3 : i32
      %dma_wait3A_731 = arith.constant 0 : i32
      %dma_wait3A_732 = arith.constant 0 : i32
      %dma_wait3A_733 = tpu.memref_slice %arg6[%dma_wait3A_730, %dma_wait3A_731, %dma_wait3A_732] : memref<6x128x128xf32, #tpu.memory_space<vmem>> -> memref<1x128x128xf32, #tpu.memory_space<vmem>>
      %dma_wait3A_734 = tpu.memref_squeeze %dma_wait3A_733 : memref<1x128x128xf32, #tpu.memory_space<vmem>> -> memref<128x128xf32, #tpu.memory_space<vmem>>
      %dma_wait3A_735 = arith.constant 0 : i32
      %dma_wait3A_736 = arith.constant 0 : i32
      %dma_wait3A_737 = tpu.memref_slice %arg4[%dma_wait3A_735, %dma_wait3A_736] : memref<737280x128xf32, #tpu.memory_space<hbm>> -> memref<128x128xf32, #tpu.memory_space<hbm>>
      %dma_wait3A_738 = arith.constant 0 : i32
      %dma_wait3A_739 = arith.constant 0 : i32
      %dma_wait3A_740 = tpu.memref_slice %arg4[%dma_wait3A_738, %dma_wait3A_739] : memref<737280x128xf32, #tpu.memory_space<hbm>> -> memref<128x128xf32, #tpu.memory_space<hbm>>
      %dma_wait3A_741 = arith.constant 0 : i32
      %dma_wait3A_742 = arith.constant 0 : i32
      %dma_wait3A_743 = tpu.memref_slice %arg6[%dma_wait3A_730, %dma_wait3A_741, %dma_wait3A_742] : memref<6x128x128xf32, #tpu.memory_space<vmem>> -> memref<1x128x128xf32, #tpu.memory_space<vmem>>
      %dma_wait3A_744 = tpu.memref_squeeze %dma_wait3A_743 : memref<1x128x128xf32, #tpu.memory_space<vmem>> -> memref<128x128xf32, #tpu.memory_space<vmem>>
      tpu.wait_dma2 semaphore(%arg16 : memref<!tpu.dma_semaphore, #tpu.memory_space<semaphore_mem>>) src(%dma_wait3A_744 : memref<128x128xf32, #tpu.memory_space<vmem>>) dst(%dma_wait3A_740 : memref<128x128xf32, #tpu.memory_space<hbm>>)
      %add3A_745 = arith.constant 3 : i32
      %add3A_746 = arith.addi %add3A_698, %add3A_745 : i32
      %dma_start3A_747 = arith.constant 3 : i32
      %dma_start3A_748 = arith.constant 0 : i32
      %dma_start3A_749 = arith.constant 0 : i32
      %dma_start3A_750 = tpu.memref_slice %arg6[%dma_start3A_747, %dma_start3A_748, %dma_start3A_749] : memref<6x128x128xf32, #tpu.memory_space<vmem>> -> memref<1x128x128xf32, #tpu.memory_space<vmem>>
      %dma_start3A_751 = tpu.memref_squeeze %dma_start3A_750 : memref<1x128x128xf32, #tpu.memory_space<vmem>> -> memref<128x128xf32, #tpu.memory_space<vmem>>
      %dma_start3A_752 = arith.constant 0 : i32
      %dma_start3A_753 = tpu.memref_slice %arg5[%add3A_746, %dma_start3A_752] : memref<180x128xi32, #tpu.memory_space<vmem>> -> memref<1x128xi32, #tpu.memory_space<vmem>>
      %dma_start3A_754 = tpu.memref_squeeze %dma_start3A_753 : memref<1x128xi32, #tpu.memory_space<vmem>> -> memref<128xi32, #tpu.memory_space<vmem>>
      %dma_start3A_755 = arith.constant 0 : i32
      %dma_start3A_756 = arith.constant 0 : i32
      %dma_start3A_757 = tpu.memref_slice %arg2[%dma_start3A_755, %dma_start3A_756] : memref<100000x128xf32, #tpu.memory_space<hbm>> -> memref<100000x128xf32, #tpu.memory_space<hbm>>
      tpu.enqueue_indirect_dma source(%dma_start3A_757 : memref<100000x128xf32, #tpu.memory_space<hbm>>) target(%dma_start3A_751 : memref<128x128xf32, #tpu.memory_space<vmem>>) offsets(%dma_start3A_754 : memref<128xi32, #tpu.memory_space<vmem>>) semaphore(%arg10 : memref<!tpu.dma_semaphore, #tpu.memory_space<semaphore_mem>>)
      %mul3A_758 = arith.constant 6 : i32
      %mul3A_759 = arith.muli %scan3A_693, %mul3A_758 : i32
      %add3A_760 = arith.constant 1 : i32
      %add3A_761 = arith.addi %mul3A_759, %add3A_760 : i32
      %dma_wait3A_762 = arith.constant 1 : i32
      %dma_wait3A_763 = arith.constant 0 : i32
      %dma_wait3A_764 = arith.constant 0 : i32
      %dma_wait3A_765 = tpu.memref_slice %arg6[%dma_wait3A_762, %dma_wait3A_763, %dma_wait3A_764] : memref<6x128x128xf32, #tpu.memory_space<vmem>> -> memref<1x128x128xf32, #tpu.memory_space<vmem>>
      %dma_wait3A_766 = tpu.memref_squeeze %dma_wait3A_765 : memref<1x128x128xf32, #tpu.memory_space<vmem>> -> memref<128x128xf32, #tpu.memory_space<vmem>>
      %dma_wait3A_767 = arith.constant 0 : i32
      %dma_wait3A_768 = arith.constant 0 : i32
      %dma_wait3A_769 = tpu.memref_slice %arg2[%dma_wait3A_767, %dma_wait3A_768] : memref<100000x128xf32, #tpu.memory_space<hbm>> -> memref<128x128xf32, #tpu.memory_space<hbm>>
      %dma_wait3A_770 = arith.constant 0 : i32
      %dma_wait3A_771 = arith.constant 0 : i32
      %dma_wait3A_772 = tpu.memref_slice %arg6[%dma_wait3A_762, %dma_wait3A_770, %dma_wait3A_771] : memref<6x128x128xf32, #tpu.memory_space<vmem>> -> memref<1x128x128xf32, #tpu.memory_space<vmem>>
      %dma_wait3A_773 = tpu.memref_squeeze %dma_wait3A_772 : memref<1x128x128xf32, #tpu.memory_space<vmem>> -> memref<128x128xf32, #tpu.memory_space<vmem>>
      %dma_wait3A_774 = arith.constant 0 : i32
      %dma_wait3A_775 = arith.constant 0 : i32
      %dma_wait3A_776 = tpu.memref_slice %arg2[%dma_wait3A_774, %dma_wait3A_775] : memref<100000x128xf32, #tpu.memory_space<hbm>> -> memref<128x128xf32, #tpu.memory_space<hbm>>
      tpu.wait_dma2 semaphore(%arg8 : memref<!tpu.dma_semaphore, #tpu.memory_space<semaphore_mem>>) src(%dma_wait3A_776 : memref<128x128xf32, #tpu.memory_space<hbm>>) dst(%dma_wait3A_773 : memref<128x128xf32, #tpu.memory_space<vmem>>)
      %mul3A_777 = arith.constant 128 : i32
      %mul3A_778 = arith.muli %add3A_761, %mul3A_777 : i32
      %add3A_779 = arith.addi %mul3A_4, %mul3A_778 : i32
      %dma_start3A_780 = arith.constant 1 : i32
      %dma_start3A_781 = arith.constant 0 : i32
      %dma_start3A_782 = arith.constant 0 : i32
      %dma_start3A_783 = tpu.memref_slice %arg6[%dma_start3A_780, %dma_start3A_781, %dma_start3A_782] : memref<6x128x128xf32, #tpu.memory_space<vmem>> -> memref<1x128x128xf32, #tpu.memory_space<vmem>>
      %dma_start3A_784 = tpu.memref_squeeze %dma_start3A_783 : memref<1x128x128xf32, #tpu.memory_space<vmem>> -> memref<128x128xf32, #tpu.memory_space<vmem>>
      %dma_start3A_785 = arith.constant 0 : i32
      %dma_start3A_786 = tpu.memref_slice %arg4[%add3A_779, %dma_start3A_785] : memref<737280x128xf32, #tpu.memory_space<hbm>> -> memref<128x128xf32, #tpu.memory_space<hbm>>
      %dma_start3A_787 = arith.constant 0 : i32
      %dma_start3A_788 = tpu.memref_slice %arg4[%add3A_779, %dma_start3A_787] : memref<737280x128xf32, #tpu.memory_space<hbm>> -> memref<128x128xf32, #tpu.memory_space<hbm>>
      %dma_start3A_789 = arith.constant 0 : i32
      %dma_start3A_790 = arith.constant 0 : i32
      %dma_start3A_791 = tpu.memref_slice %arg6[%dma_start3A_780, %dma_start3A_789, %dma_start3A_790] : memref<6x128x128xf32, #tpu.memory_space<vmem>> -> memref<1x128x128xf32, #tpu.memory_space<vmem>>
      %dma_start3A_792 = tpu.memref_squeeze %dma_start3A_791 : memref<1x128x128xf32, #tpu.memory_space<vmem>> -> memref<128x128xf32, #tpu.memory_space<vmem>>
      tpu.enqueue_dma source(%dma_start3A_792 : memref<128x128xf32, #tpu.memory_space<vmem>>) target(%dma_start3A_788 : memref<128x128xf32, #tpu.memory_space<hbm>>) target_semaphore(%arg14 : memref<!tpu.dma_semaphore, #tpu.memory_space<semaphore_mem>>)
      %dma_wait3A_793 = arith.constant 4 : i32
      %dma_wait3A_794 = arith.constant 0 : i32
      %dma_wait3A_795 = arith.constant 0 : i32
      %dma_wait3A_796 = tpu.memref_slice %arg6[%dma_wait3A_793, %dma_wait3A_794, %dma_wait3A_795] : memref<6x128x128xf32, #tpu.memory_space<vmem>> -> memref<1x128x128xf32, #tpu.memory_space<vmem>>
      %dma_wait3A_797 = tpu.memref_squeeze %dma_wait3A_796 : memref<1x128x128xf32, #tpu.memory_space<vmem>> -> memref<128x128xf32, #tpu.memory_space<vmem>>
      %dma_wait3A_798 = arith.constant 0 : i32
      %dma_wait3A_799 = arith.constant 0 : i32
      %dma_wait3A_800 = tpu.memref_slice %arg4[%dma_wait3A_798, %dma_wait3A_799] : memref<737280x128xf32, #tpu.memory_space<hbm>> -> memref<128x128xf32, #tpu.memory_space<hbm>>
      %dma_wait3A_801 = arith.constant 0 : i32
      %dma_wait3A_802 = arith.constant 0 : i32
      %dma_wait3A_803 = tpu.memref_slice %arg4[%dma_wait3A_801, %dma_wait3A_802] : memref<737280x128xf32, #tpu.memory_space<hbm>> -> memref<128x128xf32, #tpu.memory_space<hbm>>
      %dma_wait3A_804 = arith.constant 0 : i32
      %dma_wait3A_805 = arith.constant 0 : i32
      %dma_wait3A_806 = tpu.memref_slice %arg6[%dma_wait3A_793, %dma_wait3A_804, %dma_wait3A_805] : memref<6x128x128xf32, #tpu.memory_space<vmem>> -> memref<1x128x128xf32, #tpu.memory_space<vmem>>
      %dma_wait3A_807 = tpu.memref_squeeze %dma_wait3A_806 : memref<1x128x128xf32, #tpu.memory_space<vmem>> -> memref<128x128xf32, #tpu.memory_space<vmem>>
      tpu.wait_dma2 semaphore(%arg17 : memref<!tpu.dma_semaphore, #tpu.memory_space<semaphore_mem>>) src(%dma_wait3A_807 : memref<128x128xf32, #tpu.memory_space<vmem>>) dst(%dma_wait3A_803 : memref<128x128xf32, #tpu.memory_space<hbm>>)
      %add3A_808 = arith.constant 3 : i32
      %add3A_809 = arith.addi %add3A_761, %add3A_808 : i32
      %dma_start3A_810 = arith.constant 4 : i32
      %dma_start3A_811 = arith.constant 0 : i32
      %dma_start3A_812 = arith.constant 0 : i32
      %dma_start3A_813 = tpu.memref_slice %arg6[%dma_start3A_810, %dma_start3A_811, %dma_start3A_812] : memref<6x128x128xf32, #tpu.memory_space<vmem>> -> memref<1x128x128xf32, #tpu.memory_space<vmem>>
      %dma_start3A_814 = tpu.memref_squeeze %dma_start3A_813 : memref<1x128x128xf32, #tpu.memory_space<vmem>> -> memref<128x128xf32, #tpu.memory_space<vmem>>
      %dma_start3A_815 = arith.constant 0 : i32
      %dma_start3A_816 = tpu.memref_slice %arg5[%add3A_809, %dma_start3A_815] : memref<180x128xi32, #tpu.memory_space<vmem>> -> memref<1x128xi32, #tpu.memory_space<vmem>>
      %dma_start3A_817 = tpu.memref_squeeze %dma_start3A_816 : memref<1x128xi32, #tpu.memory_space<vmem>> -> memref<128xi32, #tpu.memory_space<vmem>>
      %dma_start3A_818 = arith.constant 0 : i32
      %dma_start3A_819 = arith.constant 0 : i32
      %dma_start3A_820 = tpu.memref_slice %arg2[%dma_start3A_818, %dma_start3A_819] : memref<100000x128xf32, #tpu.memory_space<hbm>> -> memref<100000x128xf32, #tpu.memory_space<hbm>>
      tpu.enqueue_indirect_dma source(%dma_start3A_820 : memref<100000x128xf32, #tpu.memory_space<hbm>>) target(%dma_start3A_814 : memref<128x128xf32, #tpu.memory_space<vmem>>) offsets(%dma_start3A_817 : memref<128xi32, #tpu.memory_space<vmem>>) semaphore(%arg11 : memref<!tpu.dma_semaphore, #tpu.memory_space<semaphore_mem>>)
      %mul3A_821 = arith.constant 6 : i32
      %mul3A_822 = arith.muli %scan3A_693, %mul3A_821 : i32
      %add3A_823 = arith.constant 2 : i32
      %add3A_824 = arith.addi %mul3A_822, %add3A_823 : i32
      %dma_wait3A_825 = arith.constant 2 : i32
      %dma_wait3A_826 = arith.constant 0 : i32
      %dma_wait3A_827 = arith.constant 0 : i32
      %dma_wait3A_828 = tpu.memref_slice %arg6[%dma_wait3A_825, %dma_wait3A_826, %dma_wait3A_827] : memref<6x128x128xf32, #tpu.memory_space<vmem>> -> memref<1x128x128xf32, #tpu.memory_space<vmem>>
      %dma_wait3A_829 = tpu.memref_squeeze %dma_wait3A_828 : memref<1x128x128xf32, #tpu.memory_space<vmem>> -> memref<128x128xf32, #tpu.memory_space<vmem>>
      %dma_wait3A_830 = arith.constant 0 : i32
      %dma_wait3A_831 = arith.constant 0 : i32
      %dma_wait3A_832 = tpu.memref_slice %arg2[%dma_wait3A_830, %dma_wait3A_831] : memref<100000x128xf32, #tpu.memory_space<hbm>> -> memref<128x128xf32, #tpu.memory_space<hbm>>
      %dma_wait3A_833 = arith.constant 0 : i32
      %dma_wait3A_834 = arith.constant 0 : i32
      %dma_wait3A_835 = tpu.memref_slice %arg6[%dma_wait3A_825, %dma_wait3A_833, %dma_wait3A_834] : memref<6x128x128xf32, #tpu.memory_space<vmem>> -> memref<1x128x128xf32, #tpu.memory_space<vmem>>
      %dma_wait3A_836 = tpu.memref_squeeze %dma_wait3A_835 : memref<1x128x128xf32, #tpu.memory_space<vmem>> -> memref<128x128xf32, #tpu.memory_space<vmem>>
      %dma_wait3A_837 = arith.constant 0 : i32
      %dma_wait3A_838 = arith.constant 0 : i32
      %dma_wait3A_839 = tpu.memref_slice %arg2[%dma_wait3A_837, %dma_wait3A_838] : memref<100000x128xf32, #tpu.memory_space<hbm>> -> memref<128x128xf32, #tpu.memory_space<hbm>>
      tpu.wait_dma2 semaphore(%arg9 : memref<!tpu.dma_semaphore, #tpu.memory_space<semaphore_mem>>) src(%dma_wait3A_839 : memref<128x128xf32, #tpu.memory_space<hbm>>) dst(%dma_wait3A_836 : memref<128x128xf32, #tpu.memory_space<vmem>>)
      %mul3A_840 = arith.constant 128 : i32
      %mul3A_841 = arith.muli %add3A_824, %mul3A_840 : i32
      %add3A_842 = arith.addi %mul3A_4, %mul3A_841 : i32
      %dma_start3A_843 = arith.constant 2 : i32
      %dma_start3A_844 = arith.constant 0 : i32
      %dma_start3A_845 = arith.constant 0 : i32
      %dma_start3A_846 = tpu.memref_slice %arg6[%dma_start3A_843, %dma_start3A_844, %dma_start3A_845] : memref<6x128x128xf32, #tpu.memory_space<vmem>> -> memref<1x128x128xf32, #tpu.memory_space<vmem>>
      %dma_start3A_847 = tpu.memref_squeeze %dma_start3A_846 : memref<1x128x128xf32, #tpu.memory_space<vmem>> -> memref<128x128xf32, #tpu.memory_space<vmem>>
      %dma_start3A_848 = arith.constant 0 : i32
      %dma_start3A_849 = tpu.memref_slice %arg4[%add3A_842, %dma_start3A_848] : memref<737280x128xf32, #tpu.memory_space<hbm>> -> memref<128x128xf32, #tpu.memory_space<hbm>>
      %dma_start3A_850 = arith.constant 0 : i32
      %dma_start3A_851 = tpu.memref_slice %arg4[%add3A_842, %dma_start3A_850] : memref<737280x128xf32, #tpu.memory_space<hbm>> -> memref<128x128xf32, #tpu.memory_space<hbm>>
      %dma_start3A_852 = arith.constant 0 : i32
      %dma_start3A_853 = arith.constant 0 : i32
      %dma_start3A_854 = tpu.memref_slice %arg6[%dma_start3A_843, %dma_start3A_852, %dma_start3A_853] : memref<6x128x128xf32, #tpu.memory_space<vmem>> -> memref<1x128x128xf32, #tpu.memory_space<vmem>>
      %dma_start3A_855 = tpu.memref_squeeze %dma_start3A_854 : memref<1x128x128xf32, #tpu.memory_space<vmem>> -> memref<128x128xf32, #tpu.memory_space<vmem>>
      tpu.enqueue_dma source(%dma_start3A_855 : memref<128x128xf32, #tpu.memory_space<vmem>>) target(%dma_start3A_851 : memref<128x128xf32, #tpu.memory_space<hbm>>) target_semaphore(%arg15 : memref<!tpu.dma_semaphore, #tpu.memory_space<semaphore_mem>>)
      %dma_wait3A_856 = arith.constant 5 : i32
      %dma_wait3A_857 = arith.constant 0 : i32
      %dma_wait3A_858 = arith.constant 0 : i32
      %dma_wait3A_859 = tpu.memref_slice %arg6[%dma_wait3A_856, %dma_wait3A_857, %dma_wait3A_858] : memref<6x128x128xf32, #tpu.memory_space<vmem>> -> memref<1x128x128xf32, #tpu.memory_space<vmem>>
      %dma_wait3A_860 = tpu.memref_squeeze %dma_wait3A_859 : memref<1x128x128xf32, #tpu.memory_space<vmem>> -> memref<128x128xf32, #tpu.memory_space<vmem>>
      %dma_wait3A_861 = arith.constant 0 : i32
      %dma_wait3A_862 = arith.constant 0 : i32
      %dma_wait3A_863 = tpu.memref_slice %arg4[%dma_wait3A_861, %dma_wait3A_862] : memref<737280x128xf32, #tpu.memory_space<hbm>> -> memref<128x128xf32, #tpu.memory_space<hbm>>
      %dma_wait3A_864 = arith.constant 0 : i32
      %dma_wait3A_865 = arith.constant 0 : i32
      %dma_wait3A_866 = tpu.memref_slice %arg4[%dma_wait3A_864, %dma_wait3A_865] : memref<737280x128xf32, #tpu.memory_space<hbm>> -> memref<128x128xf32, #tpu.memory_space<hbm>>
      %dma_wait3A_867 = arith.constant 0 : i32
      %dma_wait3A_868 = arith.constant 0 : i32
      %dma_wait3A_869 = tpu.memref_slice %arg6[%dma_wait3A_856, %dma_wait3A_867, %dma_wait3A_868] : memref<6x128x128xf32, #tpu.memory_space<vmem>> -> memref<1x128x128xf32, #tpu.memory_space<vmem>>
      %dma_wait3A_870 = tpu.memref_squeeze %dma_wait3A_869 : memref<1x128x128xf32, #tpu.memory_space<vmem>> -> memref<128x128xf32, #tpu.memory_space<vmem>>
      tpu.wait_dma2 semaphore(%arg18 : memref<!tpu.dma_semaphore, #tpu.memory_space<semaphore_mem>>) src(%dma_wait3A_870 : memref<128x128xf32, #tpu.memory_space<vmem>>) dst(%dma_wait3A_866 : memref<128x128xf32, #tpu.memory_space<hbm>>)
      %add3A_871 = arith.constant 3 : i32
      %add3A_872 = arith.addi %add3A_824, %add3A_871 : i32
      %dma_start3A_873 = arith.constant 5 : i32
      %dma_start3A_874 = arith.constant 0 : i32
      %dma_start3A_875 = arith.constant 0 : i32
      %dma_start3A_876 = tpu.memref_slice %arg6[%dma_start3A_873, %dma_start3A_874, %dma_start3A_875] : memref<6x128x128xf32, #tpu.memory_space<vmem>> -> memref<1x128x128xf32, #tpu.memory_space<vmem>>
      %dma_start3A_877 = tpu.memref_squeeze %dma_start3A_876 : memref<1x128x128xf32, #tpu.memory_space<vmem>> -> memref<128x128xf32, #tpu.memory_space<vmem>>
      %dma_start3A_878 = arith.constant 0 : i32
      %dma_start3A_879 = tpu.memref_slice %arg5[%add3A_872, %dma_start3A_878] : memref<180x128xi32, #tpu.memory_space<vmem>> -> memref<1x128xi32, #tpu.memory_space<vmem>>
      %dma_start3A_880 = tpu.memref_squeeze %dma_start3A_879 : memref<1x128xi32, #tpu.memory_space<vmem>> -> memref<128xi32, #tpu.memory_space<vmem>>
      %dma_start3A_881 = arith.constant 0 : i32
      %dma_start3A_882 = arith.constant 0 : i32
      %dma_start3A_883 = tpu.memref_slice %arg2[%dma_start3A_881, %dma_start3A_882] : memref<100000x128xf32, #tpu.memory_space<hbm>> -> memref<100000x128xf32, #tpu.memory_space<hbm>>
      tpu.enqueue_indirect_dma source(%dma_start3A_883 : memref<100000x128xf32, #tpu.memory_space<hbm>>) target(%dma_start3A_877 : memref<128x128xf32, #tpu.memory_space<vmem>>) offsets(%dma_start3A_880 : memref<128xi32, #tpu.memory_space<vmem>>) semaphore(%arg12 : memref<!tpu.dma_semaphore, #tpu.memory_space<semaphore_mem>>)
      %mul3A_884 = arith.constant 6 : i32
      %mul3A_885 = arith.muli %scan3A_693, %mul3A_884 : i32
      %add3A_886 = arith.constant 3 : i32
      %add3A_887 = arith.addi %mul3A_885, %add3A_886 : i32
      %dma_wait3A_888 = arith.constant 3 : i32
      %dma_wait3A_889 = arith.constant 0 : i32
      %dma_wait3A_890 = arith.constant 0 : i32
      %dma_wait3A_891 = tpu.memref_slice %arg6[%dma_wait3A_888, %dma_wait3A_889, %dma_wait3A_890] : memref<6x128x128xf32, #tpu.memory_space<vmem>> -> memref<1x128x128xf32, #tpu.memory_space<vmem>>
      %dma_wait3A_892 = tpu.memref_squeeze %dma_wait3A_891 : memref<1x128x128xf32, #tpu.memory_space<vmem>> -> memref<128x128xf32, #tpu.memory_space<vmem>>
      %dma_wait3A_893 = arith.constant 0 : i32
      %dma_wait3A_894 = arith.constant 0 : i32
      %dma_wait3A_895 = tpu.memref_slice %arg2[%dma_wait3A_893, %dma_wait3A_894] : memref<100000x128xf32, #tpu.memory_space<hbm>> -> memref<128x128xf32, #tpu.memory_space<hbm>>
      %dma_wait3A_896 = arith.constant 0 : i32
      %dma_wait3A_897 = arith.constant 0 : i32
      %dma_wait3A_898 = tpu.memref_slice %arg6[%dma_wait3A_888, %dma_wait3A_896, %dma_wait3A_897] : memref<6x128x128xf32, #tpu.memory_space<vmem>> -> memref<1x128x128xf32, #tpu.memory_space<vmem>>
      %dma_wait3A_899 = tpu.memref_squeeze %dma_wait3A_898 : memref<1x128x128xf32, #tpu.memory_space<vmem>> -> memref<128x128xf32, #tpu.memory_space<vmem>>
      %dma_wait3A_900 = arith.constant 0 : i32
      %dma_wait3A_901 = arith.constant 0 : i32
      %dma_wait3A_902 = tpu.memref_slice %arg2[%dma_wait3A_900, %dma_wait3A_901] : memref<100000x128xf32, #tpu.memory_space<hbm>> -> memref<128x128xf32, #tpu.memory_space<hbm>>
      tpu.wait_dma2 semaphore(%arg10 : memref<!tpu.dma_semaphore, #tpu.memory_space<semaphore_mem>>) src(%dma_wait3A_902 : memref<128x128xf32, #tpu.memory_space<hbm>>) dst(%dma_wait3A_899 : memref<128x128xf32, #tpu.memory_space<vmem>>)
      %mul3A_903 = arith.constant 128 : i32
      %mul3A_904 = arith.muli %add3A_887, %mul3A_903 : i32
      %add3A_905 = arith.addi %mul3A_4, %mul3A_904 : i32
      %dma_start3A_906 = arith.constant 3 : i32
      %dma_start3A_907 = arith.constant 0 : i32
      %dma_start3A_908 = arith.constant 0 : i32
      %dma_start3A_909 = tpu.memref_slice %arg6[%dma_start3A_906, %dma_start3A_907, %dma_start3A_908] : memref<6x128x128xf32, #tpu.memory_space<vmem>> -> memref<1x128x128xf32, #tpu.memory_space<vmem>>
      %dma_start3A_910 = tpu.memref_squeeze %dma_start3A_909 : memref<1x128x128xf32, #tpu.memory_space<vmem>> -> memref<128x128xf32, #tpu.memory_space<vmem>>
      %dma_start3A_911 = arith.constant 0 : i32
      %dma_start3A_912 = tpu.memref_slice %arg4[%add3A_905, %dma_start3A_911] : memref<737280x128xf32, #tpu.memory_space<hbm>> -> memref<128x128xf32, #tpu.memory_space<hbm>>
      %dma_start3A_913 = arith.constant 0 : i32
      %dma_start3A_914 = tpu.memref_slice %arg4[%add3A_905, %dma_start3A_913] : memref<737280x128xf32, #tpu.memory_space<hbm>> -> memref<128x128xf32, #tpu.memory_space<hbm>>
      %dma_start3A_915 = arith.constant 0 : i32
      %dma_start3A_916 = arith.constant 0 : i32
      %dma_start3A_917 = tpu.memref_slice %arg6[%dma_start3A_906, %dma_start3A_915, %dma_start3A_916] : memref<6x128x128xf32, #tpu.memory_space<vmem>> -> memref<1x128x128xf32, #tpu.memory_space<vmem>>
      %dma_start3A_918 = tpu.memref_squeeze %dma_start3A_917 : memref<1x128x128xf32, #tpu.memory_space<vmem>> -> memref<128x128xf32, #tpu.memory_space<vmem>>
      tpu.enqueue_dma source(%dma_start3A_918 : memref<128x128xf32, #tpu.memory_space<vmem>>) target(%dma_start3A_914 : memref<128x128xf32, #tpu.memory_space<hbm>>) target_semaphore(%arg16 : memref<!tpu.dma_semaphore, #tpu.memory_space<semaphore_mem>>)
      %dma_wait3A_919 = arith.constant 0 : i32
      %dma_wait3A_920 = arith.constant 0 : i32
      %dma_wait3A_921 = arith.constant 0 : i32
      %dma_wait3A_922 = tpu.memref_slice %arg6[%dma_wait3A_919, %dma_wait3A_920, %dma_wait3A_921] : memref<6x128x128xf32, #tpu.memory_space<vmem>> -> memref<1x128x128xf32, #tpu.memory_space<vmem>>
      %dma_wait3A_923 = tpu.memref_squeeze %dma_wait3A_922 : memref<1x128x128xf32, #tpu.memory_space<vmem>> -> memref<128x128xf32, #tpu.memory_space<vmem>>
      %dma_wait3A_924 = arith.constant 0 : i32
      %dma_wait3A_925 = arith.constant 0 : i32
      %dma_wait3A_926 = tpu.memref_slice %arg4[%dma_wait3A_924, %dma_wait3A_925] : memref<737280x128xf32, #tpu.memory_space<hbm>> -> memref<128x128xf32, #tpu.memory_space<hbm>>
      %dma_wait3A_927 = arith.constant 0 : i32
      %dma_wait3A_928 = arith.constant 0 : i32
      %dma_wait3A_929 = tpu.memref_slice %arg4[%dma_wait3A_927, %dma_wait3A_928] : memref<737280x128xf32, #tpu.memory_space<hbm>> -> memref<128x128xf32, #tpu.memory_space<hbm>>
      %dma_wait3A_930 = arith.constant 0 : i32
      %dma_wait3A_931 = arith.constant 0 : i32
      %dma_wait3A_932 = tpu.memref_slice %arg6[%dma_wait3A_919, %dma_wait3A_930, %dma_wait3A_931] : memref<6x128x128xf32, #tpu.memory_space<vmem>> -> memref<1x128x128xf32, #tpu.memory_space<vmem>>
      %dma_wait3A_933 = tpu.memref_squeeze %dma_wait3A_932 : memref<1x128x128xf32, #tpu.memory_space<vmem>> -> memref<128x128xf32, #tpu.memory_space<vmem>>
      tpu.wait_dma2 semaphore(%arg13 : memref<!tpu.dma_semaphore, #tpu.memory_space<semaphore_mem>>) src(%dma_wait3A_933 : memref<128x128xf32, #tpu.memory_space<vmem>>) dst(%dma_wait3A_929 : memref<128x128xf32, #tpu.memory_space<hbm>>)
      %add3A_934 = arith.constant 3 : i32
      %add3A_935 = arith.addi %add3A_887, %add3A_934 : i32
      %dma_start3A_936 = arith.constant 0 : i32
      %dma_start3A_937 = arith.constant 0 : i32
      %dma_start3A_938 = arith.constant 0 : i32
      %dma_start3A_939 = tpu.memref_slice %arg6[%dma_start3A_936, %dma_start3A_937, %dma_start3A_938] : memref<6x128x128xf32, #tpu.memory_space<vmem>> -> memref<1x128x128xf32, #tpu.memory_space<vmem>>
      %dma_start3A_940 = tpu.memref_squeeze %dma_start3A_939 : memref<1x128x128xf32, #tpu.memory_space<vmem>> -> memref<128x128xf32, #tpu.memory_space<vmem>>
      %dma_start3A_941 = arith.constant 0 : i32
      %dma_start3A_942 = tpu.memref_slice %arg5[%add3A_935, %dma_start3A_941] : memref<180x128xi32, #tpu.memory_space<vmem>> -> memref<1x128xi32, #tpu.memory_space<vmem>>
      %dma_start3A_943 = tpu.memref_squeeze %dma_start3A_942 : memref<1x128xi32, #tpu.memory_space<vmem>> -> memref<128xi32, #tpu.memory_space<vmem>>
      %dma_start3A_944 = arith.constant 0 : i32
      %dma_start3A_945 = arith.constant 0 : i32
      %dma_start3A_946 = tpu.memref_slice %arg2[%dma_start3A_944, %dma_start3A_945] : memref<100000x128xf32, #tpu.memory_space<hbm>> -> memref<100000x128xf32, #tpu.memory_space<hbm>>
      tpu.enqueue_indirect_dma source(%dma_start3A_946 : memref<100000x128xf32, #tpu.memory_space<hbm>>) target(%dma_start3A_940 : memref<128x128xf32, #tpu.memory_space<vmem>>) offsets(%dma_start3A_943 : memref<128xi32, #tpu.memory_space<vmem>>) semaphore(%arg7 : memref<!tpu.dma_semaphore, #tpu.memory_space<semaphore_mem>>)
      %mul3A_947 = arith.constant 6 : i32
      %mul3A_948 = arith.muli %scan3A_693, %mul3A_947 : i32
      %add3A_949 = arith.constant 4 : i32
      %add3A_950 = arith.addi %mul3A_948, %add3A_949 : i32
      %dma_wait3A_951 = arith.constant 4 : i32
      %dma_wait3A_952 = arith.constant 0 : i32
      %dma_wait3A_953 = arith.constant 0 : i32
      %dma_wait3A_954 = tpu.memref_slice %arg6[%dma_wait3A_951, %dma_wait3A_952, %dma_wait3A_953] : memref<6x128x128xf32, #tpu.memory_space<vmem>> -> memref<1x128x128xf32, #tpu.memory_space<vmem>>
      %dma_wait3A_955 = tpu.memref_squeeze %dma_wait3A_954 : memref<1x128x128xf32, #tpu.memory_space<vmem>> -> memref<128x128xf32, #tpu.memory_space<vmem>>
      %dma_wait3A_956 = arith.constant 0 : i32
      %dma_wait3A_957 = arith.constant 0 : i32
      %dma_wait3A_958 = tpu.memref_slice %arg2[%dma_wait3A_956, %dma_wait3A_957] : memref<100000x128xf32, #tpu.memory_space<hbm>> -> memref<128x128xf32, #tpu.memory_space<hbm>>
      %dma_wait3A_959 = arith.constant 0 : i32
      %dma_wait3A_960 = arith.constant 0 : i32
      %dma_wait3A_961 = tpu.memref_slice %arg6[%dma_wait3A_951, %dma_wait3A_959, %dma_wait3A_960] : memref<6x128x128xf32, #tpu.memory_space<vmem>> -> memref<1x128x128xf32, #tpu.memory_space<vmem>>
      %dma_wait3A_962 = tpu.memref_squeeze %dma_wait3A_961 : memref<1x128x128xf32, #tpu.memory_space<vmem>> -> memref<128x128xf32, #tpu.memory_space<vmem>>
      %dma_wait3A_963 = arith.constant 0 : i32
      %dma_wait3A_964 = arith.constant 0 : i32
      %dma_wait3A_965 = tpu.memref_slice %arg2[%dma_wait3A_963, %dma_wait3A_964] : memref<100000x128xf32, #tpu.memory_space<hbm>> -> memref<128x128xf32, #tpu.memory_space<hbm>>
      tpu.wait_dma2 semaphore(%arg11 : memref<!tpu.dma_semaphore, #tpu.memory_space<semaphore_mem>>) src(%dma_wait3A_965 : memref<128x128xf32, #tpu.memory_space<hbm>>) dst(%dma_wait3A_962 : memref<128x128xf32, #tpu.memory_space<vmem>>)
      %mul3A_966 = arith.constant 128 : i32
      %mul3A_967 = arith.muli %add3A_950, %mul3A_966 : i32
      %add3A_968 = arith.addi %mul3A_4, %mul3A_967 : i32
      %dma_start3A_969 = arith.constant 4 : i32
      %dma_start3A_970 = arith.constant 0 : i32
      %dma_start3A_971 = arith.constant 0 : i32
      %dma_start3A_972 = tpu.memref_slice %arg6[%dma_start3A_969, %dma_start3A_970, %dma_start3A_971] : memref<6x128x128xf32, #tpu.memory_space<vmem>> -> memref<1x128x128xf32, #tpu.memory_space<vmem>>
      %dma_start3A_973 = tpu.memref_squeeze %dma_start3A_972 : memref<1x128x128xf32, #tpu.memory_space<vmem>> -> memref<128x128xf32, #tpu.memory_space<vmem>>
      %dma_start3A_974 = arith.constant 0 : i32
      %dma_start3A_975 = tpu.memref_slice %arg4[%add3A_968, %dma_start3A_974] : memref<737280x128xf32, #tpu.memory_space<hbm>> -> memref<128x128xf32, #tpu.memory_space<hbm>>
      %dma_start3A_976 = arith.constant 0 : i32
      %dma_start3A_977 = tpu.memref_slice %arg4[%add3A_968, %dma_start3A_976] : memref<737280x128xf32, #tpu.memory_space<hbm>> -> memref<128x128xf32, #tpu.memory_space<hbm>>
      %dma_start3A_978 = arith.constant 0 : i32
      %dma_start3A_979 = arith.constant 0 : i32
      %dma_start3A_980 = tpu.memref_slice %arg6[%dma_start3A_969, %dma_start3A_978, %dma_start3A_979] : memref<6x128x128xf32, #tpu.memory_space<vmem>> -> memref<1x128x128xf32, #tpu.memory_space<vmem>>
      %dma_start3A_981 = tpu.memref_squeeze %dma_start3A_980 : memref<1x128x128xf32, #tpu.memory_space<vmem>> -> memref<128x128xf32, #tpu.memory_space<vmem>>
      tpu.enqueue_dma source(%dma_start3A_981 : memref<128x128xf32, #tpu.memory_space<vmem>>) target(%dma_start3A_977 : memref<128x128xf32, #tpu.memory_space<hbm>>) target_semaphore(%arg17 : memref<!tpu.dma_semaphore, #tpu.memory_space<semaphore_mem>>)
      %dma_wait3A_982 = arith.constant 1 : i32
      %dma_wait3A_983 = arith.constant 0 : i32
      %dma_wait3A_984 = arith.constant 0 : i32
      %dma_wait3A_985 = tpu.memref_slice %arg6[%dma_wait3A_982, %dma_wait3A_983, %dma_wait3A_984] : memref<6x128x128xf32, #tpu.memory_space<vmem>> -> memref<1x128x128xf32, #tpu.memory_space<vmem>>
      %dma_wait3A_986 = tpu.memref_squeeze %dma_wait3A_985 : memref<1x128x128xf32, #tpu.memory_space<vmem>> -> memref<128x128xf32, #tpu.memory_space<vmem>>
      %dma_wait3A_987 = arith.constant 0 : i32
      %dma_wait3A_988 = arith.constant 0 : i32
      %dma_wait3A_989 = tpu.memref_slice %arg4[%dma_wait3A_987, %dma_wait3A_988] : memref<737280x128xf32, #tpu.memory_space<hbm>> -> memref<128x128xf32, #tpu.memory_space<hbm>>
      %dma_wait3A_990 = arith.constant 0 : i32
      %dma_wait3A_991 = arith.constant 0 : i32
      %dma_wait3A_992 = tpu.memref_slice %arg4[%dma_wait3A_990, %dma_wait3A_991] : memref<737280x128xf32, #tpu.memory_space<hbm>> -> memref<128x128xf32, #tpu.memory_space<hbm>>
      %dma_wait3A_993 = arith.constant 0 : i32
      %dma_wait3A_994 = arith.constant 0 : i32
      %dma_wait3A_995 = tpu.memref_slice %arg6[%dma_wait3A_982, %dma_wait3A_993, %dma_wait3A_994] : memref<6x128x128xf32, #tpu.memory_space<vmem>> -> memref<1x128x128xf32, #tpu.memory_space<vmem>>
      %dma_wait3A_996 = tpu.memref_squeeze %dma_wait3A_995 : memref<1x128x128xf32, #tpu.memory_space<vmem>> -> memref<128x128xf32, #tpu.memory_space<vmem>>
      tpu.wait_dma2 semaphore(%arg14 : memref<!tpu.dma_semaphore, #tpu.memory_space<semaphore_mem>>) src(%dma_wait3A_996 : memref<128x128xf32, #tpu.memory_space<vmem>>) dst(%dma_wait3A_992 : memref<128x128xf32, #tpu.memory_space<hbm>>)
      %add3A_997 = arith.constant 3 : i32
      %add3A_998 = arith.addi %add3A_950, %add3A_997 : i32
      %dma_start3A_999 = arith.constant 1 : i32
      %dma_start3A_1000 = arith.constant 0 : i32
      %dma_start3A_1001 = arith.constant 0 : i32
      %dma_start3A_1002 = tpu.memref_slice %arg6[%dma_start3A_999, %dma_start3A_1000, %dma_start3A_1001] : memref<6x128x128xf32, #tpu.memory_space<vmem>> -> memref<1x128x128xf32, #tpu.memory_space<vmem>>
      %dma_start3A_1003 = tpu.memref_squeeze %dma_start3A_1002 : memref<1x128x128xf32, #tpu.memory_space<vmem>> -> memref<128x128xf32, #tpu.memory_space<vmem>>
      %dma_start3A_1004 = arith.constant 0 : i32
      %dma_start3A_1005 = tpu.memref_slice %arg5[%add3A_998, %dma_start3A_1004] : memref<180x128xi32, #tpu.memory_space<vmem>> -> memref<1x128xi32, #tpu.memory_space<vmem>>
      %dma_start3A_1006 = tpu.memref_squeeze %dma_start3A_1005 : memref<1x128xi32, #tpu.memory_space<vmem>> -> memref<128xi32, #tpu.memory_space<vmem>>
      %dma_start3A_1007 = arith.constant 0 : i32
      %dma_start3A_1008 = arith.constant 0 : i32
      %dma_start3A_1009 = tpu.memref_slice %arg2[%dma_start3A_1007, %dma_start3A_1008] : memref<100000x128xf32, #tpu.memory_space<hbm>> -> memref<100000x128xf32, #tpu.memory_space<hbm>>
      tpu.enqueue_indirect_dma source(%dma_start3A_1009 : memref<100000x128xf32, #tpu.memory_space<hbm>>) target(%dma_start3A_1003 : memref<128x128xf32, #tpu.memory_space<vmem>>) offsets(%dma_start3A_1006 : memref<128xi32, #tpu.memory_space<vmem>>) semaphore(%arg8 : memref<!tpu.dma_semaphore, #tpu.memory_space<semaphore_mem>>)
      %mul3A_1010 = arith.constant 6 : i32
      %mul3A_1011 = arith.muli %scan3A_693, %mul3A_1010 : i32
      %add3A_1012 = arith.constant 5 : i32
      %add3A_1013 = arith.addi %mul3A_1011, %add3A_1012 : i32
      %dma_wait3A_1014 = arith.constant 5 : i32
      %dma_wait3A_1015 = arith.constant 0 : i32
      %dma_wait3A_1016 = arith.constant 0 : i32
      %dma_wait3A_1017 = tpu.memref_slice %arg6[%dma_wait3A_1014, %dma_wait3A_1015, %dma_wait3A_1016] : memref<6x128x128xf32, #tpu.memory_space<vmem>> -> memref<1x128x128xf32, #tpu.memory_space<vmem>>
      %dma_wait3A_1018 = tpu.memref_squeeze %dma_wait3A_1017 : memref<1x128x128xf32, #tpu.memory_space<vmem>> -> memref<128x128xf32, #tpu.memory_space<vmem>>
      %dma_wait3A_1019 = arith.constant 0 : i32
      %dma_wait3A_1020 = arith.constant 0 : i32
      %dma_wait3A_1021 = tpu.memref_slice %arg2[%dma_wait3A_1019, %dma_wait3A_1020] : memref<100000x128xf32, #tpu.memory_space<hbm>> -> memref<128x128xf32, #tpu.memory_space<hbm>>
      %dma_wait3A_1022 = arith.constant 0 : i32
      %dma_wait3A_1023 = arith.constant 0 : i32
      %dma_wait3A_1024 = tpu.memref_slice %arg6[%dma_wait3A_1014, %dma_wait3A_1022, %dma_wait3A_1023] : memref<6x128x128xf32, #tpu.memory_space<vmem>> -> memref<1x128x128xf32, #tpu.memory_space<vmem>>
      %dma_wait3A_1025 = tpu.memref_squeeze %dma_wait3A_1024 : memref<1x128x128xf32, #tpu.memory_space<vmem>> -> memref<128x128xf32, #tpu.memory_space<vmem>>
      %dma_wait3A_1026 = arith.constant 0 : i32
      %dma_wait3A_1027 = arith.constant 0 : i32
      %dma_wait3A_1028 = tpu.memref_slice %arg2[%dma_wait3A_1026, %dma_wait3A_1027] : memref<100000x128xf32, #tpu.memory_space<hbm>> -> memref<128x128xf32, #tpu.memory_space<hbm>>
      tpu.wait_dma2 semaphore(%arg12 : memref<!tpu.dma_semaphore, #tpu.memory_space<semaphore_mem>>) src(%dma_wait3A_1028 : memref<128x128xf32, #tpu.memory_space<hbm>>) dst(%dma_wait3A_1025 : memref<128x128xf32, #tpu.memory_space<vmem>>)
      %mul3A_1029 = arith.constant 128 : i32
      %mul3A_1030 = arith.muli %add3A_1013, %mul3A_1029 : i32
      %add3A_1031 = arith.addi %mul3A_4, %mul3A_1030 : i32
      %dma_start3A_1032 = arith.constant 5 : i32
      %dma_start3A_1033 = arith.constant 0 : i32
      %dma_start3A_1034 = arith.constant 0 : i32
      %dma_start3A_1035 = tpu.memref_slice %arg6[%dma_start3A_1032, %dma_start3A_1033, %dma_start3A_1034] : memref<6x128x128xf32, #tpu.memory_space<vmem>> -> memref<1x128x128xf32, #tpu.memory_space<vmem>>
      %dma_start3A_1036 = tpu.memref_squeeze %dma_start3A_1035 : memref<1x128x128xf32, #tpu.memory_space<vmem>> -> memref<128x128xf32, #tpu.memory_space<vmem>>
      %dma_start3A_1037 = arith.constant 0 : i32
      %dma_start3A_1038 = tpu.memref_slice %arg4[%add3A_1031, %dma_start3A_1037] : memref<737280x128xf32, #tpu.memory_space<hbm>> -> memref<128x128xf32, #tpu.memory_space<hbm>>
      %dma_start3A_1039 = arith.constant 0 : i32
      %dma_start3A_1040 = tpu.memref_slice %arg4[%add3A_1031, %dma_start3A_1039] : memref<737280x128xf32, #tpu.memory_space<hbm>> -> memref<128x128xf32, #tpu.memory_space<hbm>>
      %dma_start3A_1041 = arith.constant 0 : i32
      %dma_start3A_1042 = arith.constant 0 : i32
      %dma_start3A_1043 = tpu.memref_slice %arg6[%dma_start3A_1032, %dma_start3A_1041, %dma_start3A_1042] : memref<6x128x128xf32, #tpu.memory_space<vmem>> -> memref<1x128x128xf32, #tpu.memory_space<vmem>>
      %dma_start3A_1044 = tpu.memref_squeeze %dma_start3A_1043 : memref<1x128x128xf32, #tpu.memory_space<vmem>> -> memref<128x128xf32, #tpu.memory_space<vmem>>
      tpu.enqueue_dma source(%dma_start3A_1044 : memref<128x128xf32, #tpu.memory_space<vmem>>) target(%dma_start3A_1040 : memref<128x128xf32, #tpu.memory_space<hbm>>) target_semaphore(%arg18 : memref<!tpu.dma_semaphore, #tpu.memory_space<semaphore_mem>>)
      %dma_wait3A_1045 = arith.constant 2 : i32
      %dma_wait3A_1046 = arith.constant 0 : i32
      %dma_wait3A_1047 = arith.constant 0 : i32
      %dma_wait3A_1048 = tpu.memref_slice %arg6[%dma_wait3A_1045, %dma_wait3A_1046, %dma_wait3A_1047] : memref<6x128x128xf32, #tpu.memory_space<vmem>> -> memref<1x128x128xf32, #tpu.memory_space<vmem>>
      %dma_wait3A_1049 = tpu.memref_squeeze %dma_wait3A_1048 : memref<1x128x128xf32, #tpu.memory_space<vmem>> -> memref<128x128xf32, #tpu.memory_space<vmem>>
      %dma_wait3A_1050 = arith.constant 0 : i32
      %dma_wait3A_1051 = arith.constant 0 : i32
      %dma_wait3A_1052 = tpu.memref_slice %arg4[%dma_wait3A_1050, %dma_wait3A_1051] : memref<737280x128xf32, #tpu.memory_space<hbm>> -> memref<128x128xf32, #tpu.memory_space<hbm>>
      %dma_wait3A_1053 = arith.constant 0 : i32
      %dma_wait3A_1054 = arith.constant 0 : i32
      %dma_wait3A_1055 = tpu.memref_slice %arg4[%dma_wait3A_1053, %dma_wait3A_1054] : memref<737280x128xf32, #tpu.memory_space<hbm>> -> memref<128x128xf32, #tpu.memory_space<hbm>>
      %dma_wait3A_1056 = arith.constant 0 : i32
      %dma_wait3A_1057 = arith.constant 0 : i32
      %dma_wait3A_1058 = tpu.memref_slice %arg6[%dma_wait3A_1045, %dma_wait3A_1056, %dma_wait3A_1057] : memref<6x128x128xf32, #tpu.memory_space<vmem>> -> memref<1x128x128xf32, #tpu.memory_space<vmem>>
      %dma_wait3A_1059 = tpu.memref_squeeze %dma_wait3A_1058 : memref<1x128x128xf32, #tpu.memory_space<vmem>> -> memref<128x128xf32, #tpu.memory_space<vmem>>
      tpu.wait_dma2 semaphore(%arg15 : memref<!tpu.dma_semaphore, #tpu.memory_space<semaphore_mem>>) src(%dma_wait3A_1059 : memref<128x128xf32, #tpu.memory_space<vmem>>) dst(%dma_wait3A_1055 : memref<128x128xf32, #tpu.memory_space<hbm>>)
      %add3A_1060 = arith.constant 3 : i32
      %add3A_1061 = arith.addi %add3A_1013, %add3A_1060 : i32
      %dma_start3A_1062 = arith.constant 2 : i32
      %dma_start3A_1063 = arith.constant 0 : i32
      %dma_start3A_1064 = arith.constant 0 : i32
      %dma_start3A_1065 = tpu.memref_slice %arg6[%dma_start3A_1062, %dma_start3A_1063, %dma_start3A_1064] : memref<6x128x128xf32, #tpu.memory_space<vmem>> -> memref<1x128x128xf32, #tpu.memory_space<vmem>>
      %dma_start3A_1066 = tpu.memref_squeeze %dma_start3A_1065 : memref<1x128x128xf32, #tpu.memory_space<vmem>> -> memref<128x128xf32, #tpu.memory_space<vmem>>
      %dma_start3A_1067 = arith.constant 0 : i32
      %dma_start3A_1068 = tpu.memref_slice %arg5[%add3A_1061, %dma_start3A_1067] : memref<180x128xi32, #tpu.memory_space<vmem>> -> memref<1x128xi32, #tpu.memory_space<vmem>>
      %dma_start3A_1069 = tpu.memref_squeeze %dma_start3A_1068 : memref<1x128xi32, #tpu.memory_space<vmem>> -> memref<128xi32, #tpu.memory_space<vmem>>
      %dma_start3A_1070 = arith.constant 0 : i32
      %dma_start3A_1071 = arith.constant 0 : i32
      %dma_start3A_1072 = tpu.memref_slice %arg2[%dma_start3A_1070, %dma_start3A_1071] : memref<100000x128xf32, #tpu.memory_space<hbm>> -> memref<100000x128xf32, #tpu.memory_space<hbm>>
      tpu.enqueue_indirect_dma source(%dma_start3A_1072 : memref<100000x128xf32, #tpu.memory_space<hbm>>) target(%dma_start3A_1066 : memref<128x128xf32, #tpu.memory_space<vmem>>) offsets(%dma_start3A_1069 : memref<128xi32, #tpu.memory_space<vmem>>) semaphore(%arg9 : memref<!tpu.dma_semaphore, #tpu.memory_space<semaphore_mem>>)
      %scan3A_1073 = arith.constant 0 : i32
      scf.yield %scan3A_1073 : i32
    }
    %scan3A_341 = arith.constant 28 : i32
    %dma_wait3A_342 = arith.constant 0 : i32
    %dma_wait3A_343 = arith.constant 0 : i32
    %dma_wait3A_344 = arith.constant 0 : i32
    %dma_wait3A_345 = tpu.memref_slice %arg6[%dma_wait3A_342, %dma_wait3A_343, %dma_wait3A_344] : memref<6x128x128xf32, #tpu.memory_space<vmem>> -> memref<1x128x128xf32, #tpu.memory_space<vmem>>
    %dma_wait3A_346 = tpu.memref_squeeze %dma_wait3A_345 : memref<1x128x128xf32, #tpu.memory_space<vmem>> -> memref<128x128xf32, #tpu.memory_space<vmem>>
    %dma_wait3A_347 = arith.constant 0 : i32
    %dma_wait3A_348 = arith.constant 0 : i32
    %dma_wait3A_349 = tpu.memref_slice %arg2[%dma_wait3A_347, %dma_wait3A_348] : memref<100000x128xf32, #tpu.memory_space<hbm>> -> memref<128x128xf32, #tpu.memory_space<hbm>>
    %dma_wait3A_350 = arith.constant 0 : i32
    %dma_wait3A_351 = arith.constant 0 : i32
    %dma_wait3A_352 = tpu.memref_slice %arg6[%dma_wait3A_342, %dma_wait3A_350, %dma_wait3A_351] : memref<6x128x128xf32, #tpu.memory_space<vmem>> -> memref<1x128x128xf32, #tpu.memory_space<vmem>>
    %dma_wait3A_353 = tpu.memref_squeeze %dma_wait3A_352 : memref<1x128x128xf32, #tpu.memory_space<vmem>> -> memref<128x128xf32, #tpu.memory_space<vmem>>
    %dma_wait3A_354 = arith.constant 0 : i32
    %dma_wait3A_355 = arith.constant 0 : i32
    %dma_wait3A_356 = tpu.memref_slice %arg2[%dma_wait3A_354, %dma_wait3A_355] : memref<100000x128xf32, #tpu.memory_space<hbm>> -> memref<128x128xf32, #tpu.memory_space<hbm>>
    tpu.wait_dma2 semaphore(%arg7 : memref<!tpu.dma_semaphore, #tpu.memory_space<semaphore_mem>>) src(%dma_wait3A_356 : memref<128x128xf32, #tpu.memory_space<hbm>>) dst(%dma_wait3A_353 : memref<128x128xf32, #tpu.memory_space<vmem>>)
    %add3A_357 = arith.constant 22272 : i32
    %add3A_358 = arith.addi %mul3A_4, %add3A_357 : i32
    %dma_start3A_359 = arith.constant 0 : i32
    %dma_start3A_360 = arith.constant 0 : i32
    %dma_start3A_361 = arith.constant 0 : i32
    %dma_start3A_362 = tpu.memref_slice %arg6[%dma_start3A_359, %dma_start3A_360, %dma_start3A_361] : memref<6x128x128xf32, #tpu.memory_space<vmem>> -> memref<1x128x128xf32, #tpu.memory_space<vmem>>
    %dma_start3A_363 = tpu.memref_squeeze %dma_start3A_362 : memref<1x128x128xf32, #tpu.memory_space<vmem>> -> memref<128x128xf32, #tpu.memory_space<vmem>>
    %dma_start3A_364 = arith.constant 0 : i32
    %dma_start3A_365 = tpu.memref_slice %arg4[%add3A_358, %dma_start3A_364] : memref<737280x128xf32, #tpu.memory_space<hbm>> -> memref<128x128xf32, #tpu.memory_space<hbm>>
    %dma_start3A_366 = arith.constant 0 : i32
    %dma_start3A_367 = tpu.memref_slice %arg4[%add3A_358, %dma_start3A_366] : memref<737280x128xf32, #tpu.memory_space<hbm>> -> memref<128x128xf32, #tpu.memory_space<hbm>>
    %dma_start3A_368 = arith.constant 0 : i32
    %dma_start3A_369 = arith.constant 0 : i32
    %dma_start3A_370 = tpu.memref_slice %arg6[%dma_start3A_359, %dma_start3A_368, %dma_start3A_369] : memref<6x128x128xf32, #tpu.memory_space<vmem>> -> memref<1x128x128xf32, #tpu.memory_space<vmem>>
    %dma_start3A_371 = tpu.memref_squeeze %dma_start3A_370 : memref<1x128x128xf32, #tpu.memory_space<vmem>> -> memref<128x128xf32, #tpu.memory_space<vmem>>
    tpu.enqueue_dma source(%dma_start3A_371 : memref<128x128xf32, #tpu.memory_space<vmem>>) target(%dma_start3A_367 : memref<128x128xf32, #tpu.memory_space<hbm>>) target_semaphore(%arg13 : memref<!tpu.dma_semaphore, #tpu.memory_space<semaphore_mem>>)
    %dma_wait3A_372 = arith.constant 3 : i32
    %dma_wait3A_373 = arith.constant 0 : i32
    %dma_wait3A_374 = arith.constant 0 : i32
    %dma_wait3A_375 = tpu.memref_slice %arg6[%dma_wait3A_372, %dma_wait3A_373, %dma_wait3A_374] : memref<6x128x128xf32, #tpu.memory_space<vmem>> -> memref<1x128x128xf32, #tpu.memory_space<vmem>>
    %dma_wait3A_376 = tpu.memref_squeeze %dma_wait3A_375 : memref<1x128x128xf32, #tpu.memory_space<vmem>> -> memref<128x128xf32, #tpu.memory_space<vmem>>
    %dma_wait3A_377 = arith.constant 0 : i32
    %dma_wait3A_378 = arith.constant 0 : i32
    %dma_wait3A_379 = tpu.memref_slice %arg4[%dma_wait3A_377, %dma_wait3A_378] : memref<737280x128xf32, #tpu.memory_space<hbm>> -> memref<128x128xf32, #tpu.memory_space<hbm>>
    %dma_wait3A_380 = arith.constant 0 : i32
    %dma_wait3A_381 = arith.constant 0 : i32
    %dma_wait3A_382 = tpu.memref_slice %arg4[%dma_wait3A_380, %dma_wait3A_381] : memref<737280x128xf32, #tpu.memory_space<hbm>> -> memref<128x128xf32, #tpu.memory_space<hbm>>
    %dma_wait3A_383 = arith.constant 0 : i32
    %dma_wait3A_384 = arith.constant 0 : i32
    %dma_wait3A_385 = tpu.memref_slice %arg6[%dma_wait3A_372, %dma_wait3A_383, %dma_wait3A_384] : memref<6x128x128xf32, #tpu.memory_space<vmem>> -> memref<1x128x128xf32, #tpu.memory_space<vmem>>
    %dma_wait3A_386 = tpu.memref_squeeze %dma_wait3A_385 : memref<1x128x128xf32, #tpu.memory_space<vmem>> -> memref<128x128xf32, #tpu.memory_space<vmem>>
    tpu.wait_dma2 semaphore(%arg16 : memref<!tpu.dma_semaphore, #tpu.memory_space<semaphore_mem>>) src(%dma_wait3A_386 : memref<128x128xf32, #tpu.memory_space<vmem>>) dst(%dma_wait3A_382 : memref<128x128xf32, #tpu.memory_space<hbm>>)
    %dma_start3A_387 = arith.constant 177 : i32
    %dma_start3A_388 = arith.constant 3 : i32
    %dma_start3A_389 = arith.constant 0 : i32
    %dma_start3A_390 = arith.constant 0 : i32
    %dma_start3A_391 = tpu.memref_slice %arg6[%dma_start3A_388, %dma_start3A_389, %dma_start3A_390] : memref<6x128x128xf32, #tpu.memory_space<vmem>> -> memref<1x128x128xf32, #tpu.memory_space<vmem>>
    %dma_start3A_392 = tpu.memref_squeeze %dma_start3A_391 : memref<1x128x128xf32, #tpu.memory_space<vmem>> -> memref<128x128xf32, #tpu.memory_space<vmem>>
    %dma_start3A_393 = arith.constant 0 : i32
    %dma_start3A_394 = tpu.memref_slice %arg5[%dma_start3A_387, %dma_start3A_393] : memref<180x128xi32, #tpu.memory_space<vmem>> -> memref<1x128xi32, #tpu.memory_space<vmem>>
    %dma_start3A_395 = tpu.memref_squeeze %dma_start3A_394 : memref<1x128xi32, #tpu.memory_space<vmem>> -> memref<128xi32, #tpu.memory_space<vmem>>
    %dma_start3A_396 = arith.constant 0 : i32
    %dma_start3A_397 = arith.constant 0 : i32
    %dma_start3A_398 = tpu.memref_slice %arg2[%dma_start3A_396, %dma_start3A_397] : memref<100000x128xf32, #tpu.memory_space<hbm>> -> memref<100000x128xf32, #tpu.memory_space<hbm>>
    tpu.enqueue_indirect_dma source(%dma_start3A_398 : memref<100000x128xf32, #tpu.memory_space<hbm>>) target(%dma_start3A_392 : memref<128x128xf32, #tpu.memory_space<vmem>>) offsets(%dma_start3A_395 : memref<128xi32, #tpu.memory_space<vmem>>) semaphore(%arg10 : memref<!tpu.dma_semaphore, #tpu.memory_space<semaphore_mem>>)
    %dma_wait3A_399 = arith.constant 1 : i32
    %dma_wait3A_400 = arith.constant 0 : i32
    %dma_wait3A_401 = arith.constant 0 : i32
    %dma_wait3A_402 = tpu.memref_slice %arg6[%dma_wait3A_399, %dma_wait3A_400, %dma_wait3A_401] : memref<6x128x128xf32, #tpu.memory_space<vmem>> -> memref<1x128x128xf32, #tpu.memory_space<vmem>>
    %dma_wait3A_403 = tpu.memref_squeeze %dma_wait3A_402 : memref<1x128x128xf32, #tpu.memory_space<vmem>> -> memref<128x128xf32, #tpu.memory_space<vmem>>
    %dma_wait3A_404 = arith.constant 0 : i32
    %dma_wait3A_405 = arith.constant 0 : i32
    %dma_wait3A_406 = tpu.memref_slice %arg2[%dma_wait3A_404, %dma_wait3A_405] : memref<100000x128xf32, #tpu.memory_space<hbm>> -> memref<128x128xf32, #tpu.memory_space<hbm>>
    %dma_wait3A_407 = arith.constant 0 : i32
    %dma_wait3A_408 = arith.constant 0 : i32
    %dma_wait3A_409 = tpu.memref_slice %arg6[%dma_wait3A_399, %dma_wait3A_407, %dma_wait3A_408] : memref<6x128x128xf32, #tpu.memory_space<vmem>> -> memref<1x128x128xf32, #tpu.memory_space<vmem>>
    %dma_wait3A_410 = tpu.memref_squeeze %dma_wait3A_409 : memref<1x128x128xf32, #tpu.memory_space<vmem>> -> memref<128x128xf32, #tpu.memory_space<vmem>>
    %dma_wait3A_411 = arith.constant 0 : i32
    %dma_wait3A_412 = arith.constant 0 : i32
    %dma_wait3A_413 = tpu.memref_slice %arg2[%dma_wait3A_411, %dma_wait3A_412] : memref<100000x128xf32, #tpu.memory_space<hbm>> -> memref<128x128xf32, #tpu.memory_space<hbm>>
    tpu.wait_dma2 semaphore(%arg8 : memref<!tpu.dma_semaphore, #tpu.memory_space<semaphore_mem>>) src(%dma_wait3A_413 : memref<128x128xf32, #tpu.memory_space<hbm>>) dst(%dma_wait3A_410 : memref<128x128xf32, #tpu.memory_space<vmem>>)
    %add3A_414 = arith.constant 22400 : i32
    %add3A_415 = arith.addi %mul3A_4, %add3A_414 : i32
    %dma_start3A_416 = arith.constant 1 : i32
    %dma_start3A_417 = arith.constant 0 : i32
    %dma_start3A_418 = arith.constant 0 : i32
    %dma_start3A_419 = tpu.memref_slice %arg6[%dma_start3A_416, %dma_start3A_417, %dma_start3A_418] : memref<6x128x128xf32, #tpu.memory_space<vmem>> -> memref<1x128x128xf32, #tpu.memory_space<vmem>>
    %dma_start3A_420 = tpu.memref_squeeze %dma_start3A_419 : memref<1x128x128xf32, #tpu.memory_space<vmem>> -> memref<128x128xf32, #tpu.memory_space<vmem>>
    %dma_start3A_421 = arith.constant 0 : i32
    %dma_start3A_422 = tpu.memref_slice %arg4[%add3A_415, %dma_start3A_421] : memref<737280x128xf32, #tpu.memory_space<hbm>> -> memref<128x128xf32, #tpu.memory_space<hbm>>
    %dma_start3A_423 = arith.constant 0 : i32
    %dma_start3A_424 = tpu.memref_slice %arg4[%add3A_415, %dma_start3A_423] : memref<737280x128xf32, #tpu.memory_space<hbm>> -> memref<128x128xf32, #tpu.memory_space<hbm>>
    %dma_start3A_425 = arith.constant 0 : i32
    %dma_start3A_426 = arith.constant 0 : i32
    %dma_start3A_427 = tpu.memref_slice %arg6[%dma_start3A_416, %dma_start3A_425, %dma_start3A_426] : memref<6x128x128xf32, #tpu.memory_space<vmem>> -> memref<1x128x128xf32, #tpu.memory_space<vmem>>
    %dma_start3A_428 = tpu.memref_squeeze %dma_start3A_427 : memref<1x128x128xf32, #tpu.memory_space<vmem>> -> memref<128x128xf32, #tpu.memory_space<vmem>>
    tpu.enqueue_dma source(%dma_start3A_428 : memref<128x128xf32, #tpu.memory_space<vmem>>) target(%dma_start3A_424 : memref<128x128xf32, #tpu.memory_space<hbm>>) target_semaphore(%arg14 : memref<!tpu.dma_semaphore, #tpu.memory_space<semaphore_mem>>)
    %dma_wait3A_429 = arith.constant 4 : i32
    %dma_wait3A_430 = arith.constant 0 : i32
    %dma_wait3A_431 = arith.constant 0 : i32
    %dma_wait3A_432 = tpu.memref_slice %arg6[%dma_wait3A_429, %dma_wait3A_430, %dma_wait3A_431] : memref<6x128x128xf32, #tpu.memory_space<vmem>> -> memref<1x128x128xf32, #tpu.memory_space<vmem>>
    %dma_wait3A_433 = tpu.memref_squeeze %dma_wait3A_432 : memref<1x128x128xf32, #tpu.memory_space<vmem>> -> memref<128x128xf32, #tpu.memory_space<vmem>>
    %dma_wait3A_434 = arith.constant 0 : i32
    %dma_wait3A_435 = arith.constant 0 : i32
    %dma_wait3A_436 = tpu.memref_slice %arg4[%dma_wait3A_434, %dma_wait3A_435] : memref<737280x128xf32, #tpu.memory_space<hbm>> -> memref<128x128xf32, #tpu.memory_space<hbm>>
    %dma_wait3A_437 = arith.constant 0 : i32
    %dma_wait3A_438 = arith.constant 0 : i32
    %dma_wait3A_439 = tpu.memref_slice %arg4[%dma_wait3A_437, %dma_wait3A_438] : memref<737280x128xf32, #tpu.memory_space<hbm>> -> memref<128x128xf32, #tpu.memory_space<hbm>>
    %dma_wait3A_440 = arith.constant 0 : i32
    %dma_wait3A_441 = arith.constant 0 : i32
    %dma_wait3A_442 = tpu.memref_slice %arg6[%dma_wait3A_429, %dma_wait3A_440, %dma_wait3A_441] : memref<6x128x128xf32, #tpu.memory_space<vmem>> -> memref<1x128x128xf32, #tpu.memory_space<vmem>>
    %dma_wait3A_443 = tpu.memref_squeeze %dma_wait3A_442 : memref<1x128x128xf32, #tpu.memory_space<vmem>> -> memref<128x128xf32, #tpu.memory_space<vmem>>
    tpu.wait_dma2 semaphore(%arg17 : memref<!tpu.dma_semaphore, #tpu.memory_space<semaphore_mem>>) src(%dma_wait3A_443 : memref<128x128xf32, #tpu.memory_space<vmem>>) dst(%dma_wait3A_439 : memref<128x128xf32, #tpu.memory_space<hbm>>)
    %dma_start3A_444 = arith.constant 178 : i32
    %dma_start3A_445 = arith.constant 4 : i32
    %dma_start3A_446 = arith.constant 0 : i32
    %dma_start3A_447 = arith.constant 0 : i32
    %dma_start3A_448 = tpu.memref_slice %arg6[%dma_start3A_445, %dma_start3A_446, %dma_start3A_447] : memref<6x128x128xf32, #tpu.memory_space<vmem>> -> memref<1x128x128xf32, #tpu.memory_space<vmem>>
    %dma_start3A_449 = tpu.memref_squeeze %dma_start3A_448 : memref<1x128x128xf32, #tpu.memory_space<vmem>> -> memref<128x128xf32, #tpu.memory_space<vmem>>
    %dma_start3A_450 = arith.constant 0 : i32
    %dma_start3A_451 = tpu.memref_slice %arg5[%dma_start3A_444, %dma_start3A_450] : memref<180x128xi32, #tpu.memory_space<vmem>> -> memref<1x128xi32, #tpu.memory_space<vmem>>
    %dma_start3A_452 = tpu.memref_squeeze %dma_start3A_451 : memref<1x128xi32, #tpu.memory_space<vmem>> -> memref<128xi32, #tpu.memory_space<vmem>>
    %dma_start3A_453 = arith.constant 0 : i32
    %dma_start3A_454 = arith.constant 0 : i32
    %dma_start3A_455 = tpu.memref_slice %arg2[%dma_start3A_453, %dma_start3A_454] : memref<100000x128xf32, #tpu.memory_space<hbm>> -> memref<100000x128xf32, #tpu.memory_space<hbm>>
    tpu.enqueue_indirect_dma source(%dma_start3A_455 : memref<100000x128xf32, #tpu.memory_space<hbm>>) target(%dma_start3A_449 : memref<128x128xf32, #tpu.memory_space<vmem>>) offsets(%dma_start3A_452 : memref<128xi32, #tpu.memory_space<vmem>>) semaphore(%arg11 : memref<!tpu.dma_semaphore, #tpu.memory_space<semaphore_mem>>)
    %dma_wait3A_456 = arith.constant 2 : i32
    %dma_wait3A_457 = arith.constant 0 : i32
    %dma_wait3A_458 = arith.constant 0 : i32
    %dma_wait3A_459 = tpu.memref_slice %arg6[%dma_wait3A_456, %dma_wait3A_457, %dma_wait3A_458] : memref<6x128x128xf32, #tpu.memory_space<vmem>> -> memref<1x128x128xf32, #tpu.memory_space<vmem>>
    %dma_wait3A_460 = tpu.memref_squeeze %dma_wait3A_459 : memref<1x128x128xf32, #tpu.memory_space<vmem>> -> memref<128x128xf32, #tpu.memory_space<vmem>>
    %dma_wait3A_461 = arith.constant 0 : i32
    %dma_wait3A_462 = arith.constant 0 : i32
    %dma_wait3A_463 = tpu.memref_slice %arg2[%dma_wait3A_461, %dma_wait3A_462] : memref<100000x128xf32, #tpu.memory_space<hbm>> -> memref<128x128xf32, #tpu.memory_space<hbm>>
    %dma_wait3A_464 = arith.constant 0 : i32
    %dma_wait3A_465 = arith.constant 0 : i32
    %dma_wait3A_466 = tpu.memref_slice %arg6[%dma_wait3A_456, %dma_wait3A_464, %dma_wait3A_465] : memref<6x128x128xf32, #tpu.memory_space<vmem>> -> memref<1x128x128xf32, #tpu.memory_space<vmem>>
    %dma_wait3A_467 = tpu.memref_squeeze %dma_wait3A_466 : memref<1x128x128xf32, #tpu.memory_space<vmem>> -> memref<128x128xf32, #tpu.memory_space<vmem>>
    %dma_wait3A_468 = arith.constant 0 : i32
    %dma_wait3A_469 = arith.constant 0 : i32
    %dma_wait3A_470 = tpu.memref_slice %arg2[%dma_wait3A_468, %dma_wait3A_469] : memref<100000x128xf32, #tpu.memory_space<hbm>> -> memref<128x128xf32, #tpu.memory_space<hbm>>
    tpu.wait_dma2 semaphore(%arg9 : memref<!tpu.dma_semaphore, #tpu.memory_space<semaphore_mem>>) src(%dma_wait3A_470 : memref<128x128xf32, #tpu.memory_space<hbm>>) dst(%dma_wait3A_467 : memref<128x128xf32, #tpu.memory_space<vmem>>)
    %add3A_471 = arith.constant 22528 : i32
    %add3A_472 = arith.addi %mul3A_4, %add3A_471 : i32
    %dma_start3A_473 = arith.constant 2 : i32
    %dma_start3A_474 = arith.constant 0 : i32
    %dma_start3A_475 = arith.constant 0 : i32
    %dma_start3A_476 = tpu.memref_slice %arg6[%dma_start3A_473, %dma_start3A_474, %dma_start3A_475] : memref<6x128x128xf32, #tpu.memory_space<vmem>> -> memref<1x128x128xf32, #tpu.memory_space<vmem>>
    %dma_start3A_477 = tpu.memref_squeeze %dma_start3A_476 : memref<1x128x128xf32, #tpu.memory_space<vmem>> -> memref<128x128xf32, #tpu.memory_space<vmem>>
    %dma_start3A_478 = arith.constant 0 : i32
    %dma_start3A_479 = tpu.memref_slice %arg4[%add3A_472, %dma_start3A_478] : memref<737280x128xf32, #tpu.memory_space<hbm>> -> memref<128x128xf32, #tpu.memory_space<hbm>>
    %dma_start3A_480 = arith.constant 0 : i32
    %dma_start3A_481 = tpu.memref_slice %arg4[%add3A_472, %dma_start3A_480] : memref<737280x128xf32, #tpu.memory_space<hbm>> -> memref<128x128xf32, #tpu.memory_space<hbm>>
    %dma_start3A_482 = arith.constant 0 : i32
    %dma_start3A_483 = arith.constant 0 : i32
    %dma_start3A_484 = tpu.memref_slice %arg6[%dma_start3A_473, %dma_start3A_482, %dma_start3A_483] : memref<6x128x128xf32, #tpu.memory_space<vmem>> -> memref<1x128x128xf32, #tpu.memory_space<vmem>>
    %dma_start3A_485 = tpu.memref_squeeze %dma_start3A_484 : memref<1x128x128xf32, #tpu.memory_space<vmem>> -> memref<128x128xf32, #tpu.memory_space<vmem>>
    tpu.enqueue_dma source(%dma_start3A_485 : memref<128x128xf32, #tpu.memory_space<vmem>>) target(%dma_start3A_481 : memref<128x128xf32, #tpu.memory_space<hbm>>) target_semaphore(%arg15 : memref<!tpu.dma_semaphore, #tpu.memory_space<semaphore_mem>>)
    %dma_wait3A_486 = arith.constant 5 : i32
    %dma_wait3A_487 = arith.constant 0 : i32
    %dma_wait3A_488 = arith.constant 0 : i32
    %dma_wait3A_489 = tpu.memref_slice %arg6[%dma_wait3A_486, %dma_wait3A_487, %dma_wait3A_488] : memref<6x128x128xf32, #tpu.memory_space<vmem>> -> memref<1x128x128xf32, #tpu.memory_space<vmem>>
    %dma_wait3A_490 = tpu.memref_squeeze %dma_wait3A_489 : memref<1x128x128xf32, #tpu.memory_space<vmem>> -> memref<128x128xf32, #tpu.memory_space<vmem>>
    %dma_wait3A_491 = arith.constant 0 : i32
    %dma_wait3A_492 = arith.constant 0 : i32
    %dma_wait3A_493 = tpu.memref_slice %arg4[%dma_wait3A_491, %dma_wait3A_492] : memref<737280x128xf32, #tpu.memory_space<hbm>> -> memref<128x128xf32, #tpu.memory_space<hbm>>
    %dma_wait3A_494 = arith.constant 0 : i32
    %dma_wait3A_495 = arith.constant 0 : i32
    %dma_wait3A_496 = tpu.memref_slice %arg4[%dma_wait3A_494, %dma_wait3A_495] : memref<737280x128xf32, #tpu.memory_space<hbm>> -> memref<128x128xf32, #tpu.memory_space<hbm>>
    %dma_wait3A_497 = arith.constant 0 : i32
    %dma_wait3A_498 = arith.constant 0 : i32
    %dma_wait3A_499 = tpu.memref_slice %arg6[%dma_wait3A_486, %dma_wait3A_497, %dma_wait3A_498] : memref<6x128x128xf32, #tpu.memory_space<vmem>> -> memref<1x128x128xf32, #tpu.memory_space<vmem>>
    %dma_wait3A_500 = tpu.memref_squeeze %dma_wait3A_499 : memref<1x128x128xf32, #tpu.memory_space<vmem>> -> memref<128x128xf32, #tpu.memory_space<vmem>>
    tpu.wait_dma2 semaphore(%arg18 : memref<!tpu.dma_semaphore, #tpu.memory_space<semaphore_mem>>) src(%dma_wait3A_500 : memref<128x128xf32, #tpu.memory_space<vmem>>) dst(%dma_wait3A_496 : memref<128x128xf32, #tpu.memory_space<hbm>>)
    %dma_start3A_501 = arith.constant 179 : i32
    %dma_start3A_502 = arith.constant 5 : i32
    %dma_start3A_503 = arith.constant 0 : i32
    %dma_start3A_504 = arith.constant 0 : i32
    %dma_start3A_505 = tpu.memref_slice %arg6[%dma_start3A_502, %dma_start3A_503, %dma_start3A_504] : memref<6x128x128xf32, #tpu.memory_space<vmem>> -> memref<1x128x128xf32, #tpu.memory_space<vmem>>
    %dma_start3A_506 = tpu.memref_squeeze %dma_start3A_505 : memref<1x128x128xf32, #tpu.memory_space<vmem>> -> memref<128x128xf32, #tpu.memory_space<vmem>>
    %dma_start3A_507 = arith.constant 0 : i32
    %dma_start3A_508 = tpu.memref_slice %arg5[%dma_start3A_501, %dma_start3A_507] : memref<180x128xi32, #tpu.memory_space<vmem>> -> memref<1x128xi32, #tpu.memory_space<vmem>>
    %dma_start3A_509 = tpu.memref_squeeze %dma_start3A_508 : memref<1x128xi32, #tpu.memory_space<vmem>> -> memref<128xi32, #tpu.memory_space<vmem>>
    %dma_start3A_510 = arith.constant 0 : i32
    %dma_start3A_511 = arith.constant 0 : i32
    %dma_start3A_512 = tpu.memref_slice %arg2[%dma_start3A_510, %dma_start3A_511] : memref<100000x128xf32, #tpu.memory_space<hbm>> -> memref<100000x128xf32, #tpu.memory_space<hbm>>
    tpu.enqueue_indirect_dma source(%dma_start3A_512 : memref<100000x128xf32, #tpu.memory_space<hbm>>) target(%dma_start3A_506 : memref<128x128xf32, #tpu.memory_space<vmem>>) offsets(%dma_start3A_509 : memref<128xi32, #tpu.memory_space<vmem>>) semaphore(%arg12 : memref<!tpu.dma_semaphore, #tpu.memory_space<semaphore_mem>>)
    %dma_wait3A_513 = arith.constant 3 : i32
    %dma_wait3A_514 = arith.constant 0 : i32
    %dma_wait3A_515 = arith.constant 0 : i32
    %dma_wait3A_516 = tpu.memref_slice %arg6[%dma_wait3A_513, %dma_wait3A_514, %dma_wait3A_515] : memref<6x128x128xf32, #tpu.memory_space<vmem>> -> memref<1x128x128xf32, #tpu.memory_space<vmem>>
    %dma_wait3A_517 = tpu.memref_squeeze %dma_wait3A_516 : memref<1x128x128xf32, #tpu.memory_space<vmem>> -> memref<128x128xf32, #tpu.memory_space<vmem>>
    %dma_wait3A_518 = arith.constant 0 : i32
    %dma_wait3A_519 = arith.constant 0 : i32
    %dma_wait3A_520 = tpu.memref_slice %arg2[%dma_wait3A_518, %dma_wait3A_519] : memref<100000x128xf32, #tpu.memory_space<hbm>> -> memref<128x128xf32, #tpu.memory_space<hbm>>
    %dma_wait3A_521 = arith.constant 0 : i32
    %dma_wait3A_522 = arith.constant 0 : i32
    %dma_wait3A_523 = tpu.memref_slice %arg6[%dma_wait3A_513, %dma_wait3A_521, %dma_wait3A_522] : memref<6x128x128xf32, #tpu.memory_space<vmem>> -> memref<1x128x128xf32, #tpu.memory_space<vmem>>
    %dma_wait3A_524 = tpu.memref_squeeze %dma_wait3A_523 : memref<1x128x128xf32, #tpu.memory_space<vmem>> -> memref<128x128xf32, #tpu.memory_space<vmem>>
    %dma_wait3A_525 = arith.constant 0 : i32
    %dma_wait3A_526 = arith.constant 0 : i32
    %dma_wait3A_527 = tpu.memref_slice %arg2[%dma_wait3A_525, %dma_wait3A_526] : memref<100000x128xf32, #tpu.memory_space<hbm>> -> memref<128x128xf32, #tpu.memory_space<hbm>>
    tpu.wait_dma2 semaphore(%arg10 : memref<!tpu.dma_semaphore, #tpu.memory_space<semaphore_mem>>) src(%dma_wait3A_527 : memref<128x128xf32, #tpu.memory_space<hbm>>) dst(%dma_wait3A_524 : memref<128x128xf32, #tpu.memory_space<vmem>>)
    %add3A_528 = arith.constant 22656 : i32
    %add3A_529 = arith.addi %mul3A_4, %add3A_528 : i32
    %dma_start3A_530 = arith.constant 3 : i32
    %dma_start3A_531 = arith.constant 0 : i32
    %dma_start3A_532 = arith.constant 0 : i32
    %dma_start3A_533 = tpu.memref_slice %arg6[%dma_start3A_530, %dma_start3A_531, %dma_start3A_532] : memref<6x128x128xf32, #tpu.memory_space<vmem>> -> memref<1x128x128xf32, #tpu.memory_space<vmem>>
    %dma_start3A_534 = tpu.memref_squeeze %dma_start3A_533 : memref<1x128x128xf32, #tpu.memory_space<vmem>> -> memref<128x128xf32, #tpu.memory_space<vmem>>
    %dma_start3A_535 = arith.constant 0 : i32
    %dma_start3A_536 = tpu.memref_slice %arg4[%add3A_529, %dma_start3A_535] : memref<737280x128xf32, #tpu.memory_space<hbm>> -> memref<128x128xf32, #tpu.memory_space<hbm>>
    %dma_start3A_537 = arith.constant 0 : i32
    %dma_start3A_538 = tpu.memref_slice %arg4[%add3A_529, %dma_start3A_537] : memref<737280x128xf32, #tpu.memory_space<hbm>> -> memref<128x128xf32, #tpu.memory_space<hbm>>
    %dma_start3A_539 = arith.constant 0 : i32
    %dma_start3A_540 = arith.constant 0 : i32
    %dma_start3A_541 = tpu.memref_slice %arg6[%dma_start3A_530, %dma_start3A_539, %dma_start3A_540] : memref<6x128x128xf32, #tpu.memory_space<vmem>> -> memref<1x128x128xf32, #tpu.memory_space<vmem>>
    %dma_start3A_542 = tpu.memref_squeeze %dma_start3A_541 : memref<1x128x128xf32, #tpu.memory_space<vmem>> -> memref<128x128xf32, #tpu.memory_space<vmem>>
    tpu.enqueue_dma source(%dma_start3A_542 : memref<128x128xf32, #tpu.memory_space<vmem>>) target(%dma_start3A_538 : memref<128x128xf32, #tpu.memory_space<hbm>>) target_semaphore(%arg16 : memref<!tpu.dma_semaphore, #tpu.memory_space<semaphore_mem>>)
    %dma_wait3A_543 = arith.constant 0 : i32
    %dma_wait3A_544 = arith.constant 0 : i32
    %dma_wait3A_545 = arith.constant 0 : i32
    %dma_wait3A_546 = tpu.memref_slice %arg6[%dma_wait3A_543, %dma_wait3A_544, %dma_wait3A_545] : memref<6x128x128xf32, #tpu.memory_space<vmem>> -> memref<1x128x128xf32, #tpu.memory_space<vmem>>
    %dma_wait3A_547 = tpu.memref_squeeze %dma_wait3A_546 : memref<1x128x128xf32, #tpu.memory_space<vmem>> -> memref<128x128xf32, #tpu.memory_space<vmem>>
    %dma_wait3A_548 = arith.constant 0 : i32
    %dma_wait3A_549 = arith.constant 0 : i32
    %dma_wait3A_550 = tpu.memref_slice %arg4[%dma_wait3A_548, %dma_wait3A_549] : memref<737280x128xf32, #tpu.memory_space<hbm>> -> memref<128x128xf32, #tpu.memory_space<hbm>>
    %dma_wait3A_551 = arith.constant 0 : i32
    %dma_wait3A_552 = arith.constant 0 : i32
    %dma_wait3A_553 = tpu.memref_slice %arg4[%dma_wait3A_551, %dma_wait3A_552] : memref<737280x128xf32, #tpu.memory_space<hbm>> -> memref<128x128xf32, #tpu.memory_space<hbm>>
    %dma_wait3A_554 = arith.constant 0 : i32
    %dma_wait3A_555 = arith.constant 0 : i32
    %dma_wait3A_556 = tpu.memref_slice %arg6[%dma_wait3A_543, %dma_wait3A_554, %dma_wait3A_555] : memref<6x128x128xf32, #tpu.memory_space<vmem>> -> memref<1x128x128xf32, #tpu.memory_space<vmem>>
    %dma_wait3A_557 = tpu.memref_squeeze %dma_wait3A_556 : memref<1x128x128xf32, #tpu.memory_space<vmem>> -> memref<128x128xf32, #tpu.memory_space<vmem>>
    tpu.wait_dma2 semaphore(%arg13 : memref<!tpu.dma_semaphore, #tpu.memory_space<semaphore_mem>>) src(%dma_wait3A_557 : memref<128x128xf32, #tpu.memory_space<vmem>>) dst(%dma_wait3A_553 : memref<128x128xf32, #tpu.memory_space<hbm>>)
    %dma_wait3A_558 = arith.constant 4 : i32
    %dma_wait3A_559 = arith.constant 0 : i32
    %dma_wait3A_560 = arith.constant 0 : i32
    %dma_wait3A_561 = tpu.memref_slice %arg6[%dma_wait3A_558, %dma_wait3A_559, %dma_wait3A_560] : memref<6x128x128xf32, #tpu.memory_space<vmem>> -> memref<1x128x128xf32, #tpu.memory_space<vmem>>
    %dma_wait3A_562 = tpu.memref_squeeze %dma_wait3A_561 : memref<1x128x128xf32, #tpu.memory_space<vmem>> -> memref<128x128xf32, #tpu.memory_space<vmem>>
    %dma_wait3A_563 = arith.constant 0 : i32
    %dma_wait3A_564 = arith.constant 0 : i32
    %dma_wait3A_565 = tpu.memref_slice %arg2[%dma_wait3A_563, %dma_wait3A_564] : memref<100000x128xf32, #tpu.memory_space<hbm>> -> memref<128x128xf32, #tpu.memory_space<hbm>>
    %dma_wait3A_566 = arith.constant 0 : i32
    %dma_wait3A_567 = arith.constant 0 : i32
    %dma_wait3A_568 = tpu.memref_slice %arg6[%dma_wait3A_558, %dma_wait3A_566, %dma_wait3A_567] : memref<6x128x128xf32, #tpu.memory_space<vmem>> -> memref<1x128x128xf32, #tpu.memory_space<vmem>>
    %dma_wait3A_569 = tpu.memref_squeeze %dma_wait3A_568 : memref<1x128x128xf32, #tpu.memory_space<vmem>> -> memref<128x128xf32, #tpu.memory_space<vmem>>
    %dma_wait3A_570 = arith.constant 0 : i32
    %dma_wait3A_571 = arith.constant 0 : i32
    %dma_wait3A_572 = tpu.memref_slice %arg2[%dma_wait3A_570, %dma_wait3A_571] : memref<100000x128xf32, #tpu.memory_space<hbm>> -> memref<128x128xf32, #tpu.memory_space<hbm>>
    tpu.wait_dma2 semaphore(%arg11 : memref<!tpu.dma_semaphore, #tpu.memory_space<semaphore_mem>>) src(%dma_wait3A_572 : memref<128x128xf32, #tpu.memory_space<hbm>>) dst(%dma_wait3A_569 : memref<128x128xf32, #tpu.memory_space<vmem>>)
    %add3A_573 = arith.constant 22784 : i32
    %add3A_574 = arith.addi %mul3A_4, %add3A_573 : i32
    %dma_start3A_575 = arith.constant 4 : i32
    %dma_start3A_576 = arith.constant 0 : i32
    %dma_start3A_577 = arith.constant 0 : i32
    %dma_start3A_578 = tpu.memref_slice %arg6[%dma_start3A_575, %dma_start3A_576, %dma_start3A_577] : memref<6x128x128xf32, #tpu.memory_space<vmem>> -> memref<1x128x128xf32, #tpu.memory_space<vmem>>
    %dma_start3A_579 = tpu.memref_squeeze %dma_start3A_578 : memref<1x128x128xf32, #tpu.memory_space<vmem>> -> memref<128x128xf32, #tpu.memory_space<vmem>>
    %dma_start3A_580 = arith.constant 0 : i32
    %dma_start3A_581 = tpu.memref_slice %arg4[%add3A_574, %dma_start3A_580] : memref<737280x128xf32, #tpu.memory_space<hbm>> -> memref<128x128xf32, #tpu.memory_space<hbm>>
    %dma_start3A_582 = arith.constant 0 : i32
    %dma_start3A_583 = tpu.memref_slice %arg4[%add3A_574, %dma_start3A_582] : memref<737280x128xf32, #tpu.memory_space<hbm>> -> memref<128x128xf32, #tpu.memory_space<hbm>>
    %dma_start3A_584 = arith.constant 0 : i32
    %dma_start3A_585 = arith.constant 0 : i32
    %dma_start3A_586 = tpu.memref_slice %arg6[%dma_start3A_575, %dma_start3A_584, %dma_start3A_585] : memref<6x128x128xf32, #tpu.memory_space<vmem>> -> memref<1x128x128xf32, #tpu.memory_space<vmem>>
    %dma_start3A_587 = tpu.memref_squeeze %dma_start3A_586 : memref<1x128x128xf32, #tpu.memory_space<vmem>> -> memref<128x128xf32, #tpu.memory_space<vmem>>
    tpu.enqueue_dma source(%dma_start3A_587 : memref<128x128xf32, #tpu.memory_space<vmem>>) target(%dma_start3A_583 : memref<128x128xf32, #tpu.memory_space<hbm>>) target_semaphore(%arg17 : memref<!tpu.dma_semaphore, #tpu.memory_space<semaphore_mem>>)
    %dma_wait3A_588 = arith.constant 1 : i32
    %dma_wait3A_589 = arith.constant 0 : i32
    %dma_wait3A_590 = arith.constant 0 : i32
    %dma_wait3A_591 = tpu.memref_slice %arg6[%dma_wait3A_588, %dma_wait3A_589, %dma_wait3A_590] : memref<6x128x128xf32, #tpu.memory_space<vmem>> -> memref<1x128x128xf32, #tpu.memory_space<vmem>>
    %dma_wait3A_592 = tpu.memref_squeeze %dma_wait3A_591 : memref<1x128x128xf32, #tpu.memory_space<vmem>> -> memref<128x128xf32, #tpu.memory_space<vmem>>
    %dma_wait3A_593 = arith.constant 0 : i32
    %dma_wait3A_594 = arith.constant 0 : i32
    %dma_wait3A_595 = tpu.memref_slice %arg4[%dma_wait3A_593, %dma_wait3A_594] : memref<737280x128xf32, #tpu.memory_space<hbm>> -> memref<128x128xf32, #tpu.memory_space<hbm>>
    %dma_wait3A_596 = arith.constant 0 : i32
    %dma_wait3A_597 = arith.constant 0 : i32
    %dma_wait3A_598 = tpu.memref_slice %arg4[%dma_wait3A_596, %dma_wait3A_597] : memref<737280x128xf32, #tpu.memory_space<hbm>> -> memref<128x128xf32, #tpu.memory_space<hbm>>
    %dma_wait3A_599 = arith.constant 0 : i32
    %dma_wait3A_600 = arith.constant 0 : i32
    %dma_wait3A_601 = tpu.memref_slice %arg6[%dma_wait3A_588, %dma_wait3A_599, %dma_wait3A_600] : memref<6x128x128xf32, #tpu.memory_space<vmem>> -> memref<1x128x128xf32, #tpu.memory_space<vmem>>
    %dma_wait3A_602 = tpu.memref_squeeze %dma_wait3A_601 : memref<1x128x128xf32, #tpu.memory_space<vmem>> -> memref<128x128xf32, #tpu.memory_space<vmem>>
    tpu.wait_dma2 semaphore(%arg14 : memref<!tpu.dma_semaphore, #tpu.memory_space<semaphore_mem>>) src(%dma_wait3A_602 : memref<128x128xf32, #tpu.memory_space<vmem>>) dst(%dma_wait3A_598 : memref<128x128xf32, #tpu.memory_space<hbm>>)
    %dma_wait3A_603 = arith.constant 5 : i32
    %dma_wait3A_604 = arith.constant 0 : i32
    %dma_wait3A_605 = arith.constant 0 : i32
    %dma_wait3A_606 = tpu.memref_slice %arg6[%dma_wait3A_603, %dma_wait3A_604, %dma_wait3A_605] : memref<6x128x128xf32, #tpu.memory_space<vmem>> -> memref<1x128x128xf32, #tpu.memory_space<vmem>>
    %dma_wait3A_607 = tpu.memref_squeeze %dma_wait3A_606 : memref<1x128x128xf32, #tpu.memory_space<vmem>> -> memref<128x128xf32, #tpu.memory_space<vmem>>
    %dma_wait3A_608 = arith.constant 0 : i32
    %dma_wait3A_609 = arith.constant 0 : i32
    %dma_wait3A_610 = tpu.memref_slice %arg2[%dma_wait3A_608, %dma_wait3A_609] : memref<100000x128xf32, #tpu.memory_space<hbm>> -> memref<128x128xf32, #tpu.memory_space<hbm>>
    %dma_wait3A_611 = arith.constant 0 : i32
    %dma_wait3A_612 = arith.constant 0 : i32
    %dma_wait3A_613 = tpu.memref_slice %arg6[%dma_wait3A_603, %dma_wait3A_611, %dma_wait3A_612] : memref<6x128x128xf32, #tpu.memory_space<vmem>> -> memref<1x128x128xf32, #tpu.memory_space<vmem>>
    %dma_wait3A_614 = tpu.memref_squeeze %dma_wait3A_613 : memref<1x128x128xf32, #tpu.memory_space<vmem>> -> memref<128x128xf32, #tpu.memory_space<vmem>>
    %dma_wait3A_615 = arith.constant 0 : i32
    %dma_wait3A_616 = arith.constant 0 : i32
    %dma_wait3A_617 = tpu.memref_slice %arg2[%dma_wait3A_615, %dma_wait3A_616] : memref<100000x128xf32, #tpu.memory_space<hbm>> -> memref<128x128xf32, #tpu.memory_space<hbm>>
    tpu.wait_dma2 semaphore(%arg12 : memref<!tpu.dma_semaphore, #tpu.memory_space<semaphore_mem>>) src(%dma_wait3A_617 : memref<128x128xf32, #tpu.memory_space<hbm>>) dst(%dma_wait3A_614 : memref<128x128xf32, #tpu.memory_space<vmem>>)
    %add3A_618 = arith.constant 22912 : i32
    %add3A_619 = arith.addi %mul3A_4, %add3A_618 : i32
    %dma_start3A_620 = arith.constant 5 : i32
    %dma_start3A_621 = arith.constant 0 : i32
    %dma_start3A_622 = arith.constant 0 : i32
    %dma_start3A_623 = tpu.memref_slice %arg6[%dma_start3A_620, %dma_start3A_621, %dma_start3A_622] : memref<6x128x128xf32, #tpu.memory_space<vmem>> -> memref<1x128x128xf32, #tpu.memory_space<vmem>>
    %dma_start3A_624 = tpu.memref_squeeze %dma_start3A_623 : memref<1x128x128xf32, #tpu.memory_space<vmem>> -> memref<128x128xf32, #tpu.memory_space<vmem>>
    %dma_start3A_625 = arith.constant 0 : i32
    %dma_start3A_626 = tpu.memref_slice %arg4[%add3A_619, %dma_start3A_625] : memref<737280x128xf32, #tpu.memory_space<hbm>> -> memref<128x128xf32, #tpu.memory_space<hbm>>
    %dma_start3A_627 = arith.constant 0 : i32
    %dma_start3A_628 = tpu.memref_slice %arg4[%add3A_619, %dma_start3A_627] : memref<737280x128xf32, #tpu.memory_space<hbm>> -> memref<128x128xf32, #tpu.memory_space<hbm>>
    %dma_start3A_629 = arith.constant 0 : i32
    %dma_start3A_630 = arith.constant 0 : i32
    %dma_start3A_631 = tpu.memref_slice %arg6[%dma_start3A_620, %dma_start3A_629, %dma_start3A_630] : memref<6x128x128xf32, #tpu.memory_space<vmem>> -> memref<1x128x128xf32, #tpu.memory_space<vmem>>
    %dma_start3A_632 = tpu.memref_squeeze %dma_start3A_631 : memref<1x128x128xf32, #tpu.memory_space<vmem>> -> memref<128x128xf32, #tpu.memory_space<vmem>>
    tpu.enqueue_dma source(%dma_start3A_632 : memref<128x128xf32, #tpu.memory_space<vmem>>) target(%dma_start3A_628 : memref<128x128xf32, #tpu.memory_space<hbm>>) target_semaphore(%arg18 : memref<!tpu.dma_semaphore, #tpu.memory_space<semaphore_mem>>)
    %dma_wait3A_633 = arith.constant 2 : i32
    %dma_wait3A_634 = arith.constant 0 : i32
    %dma_wait3A_635 = arith.constant 0 : i32
    %dma_wait3A_636 = tpu.memref_slice %arg6[%dma_wait3A_633, %dma_wait3A_634, %dma_wait3A_635] : memref<6x128x128xf32, #tpu.memory_space<vmem>> -> memref<1x128x128xf32, #tpu.memory_space<vmem>>
    %dma_wait3A_637 = tpu.memref_squeeze %dma_wait3A_636 : memref<1x128x128xf32, #tpu.memory_space<vmem>> -> memref<128x128xf32, #tpu.memory_space<vmem>>
    %dma_wait3A_638 = arith.constant 0 : i32
    %dma_wait3A_639 = arith.constant 0 : i32
    %dma_wait3A_640 = tpu.memref_slice %arg4[%dma_wait3A_638, %dma_wait3A_639] : memref<737280x128xf32, #tpu.memory_space<hbm>> -> memref<128x128xf32, #tpu.memory_space<hbm>>
    %dma_wait3A_641 = arith.constant 0 : i32
    %dma_wait3A_642 = arith.constant 0 : i32
    %dma_wait3A_643 = tpu.memref_slice %arg4[%dma_wait3A_641, %dma_wait3A_642] : memref<737280x128xf32, #tpu.memory_space<hbm>> -> memref<128x128xf32, #tpu.memory_space<hbm>>
    %dma_wait3A_644 = arith.constant 0 : i32
    %dma_wait3A_645 = arith.constant 0 : i32
    %dma_wait3A_646 = tpu.memref_slice %arg6[%dma_wait3A_633, %dma_wait3A_644, %dma_wait3A_645] : memref<6x128x128xf32, #tpu.memory_space<vmem>> -> memref<1x128x128xf32, #tpu.memory_space<vmem>>
    %dma_wait3A_647 = tpu.memref_squeeze %dma_wait3A_646 : memref<1x128x128xf32, #tpu.memory_space<vmem>> -> memref<128x128xf32, #tpu.memory_space<vmem>>
    tpu.wait_dma2 semaphore(%arg15 : memref<!tpu.dma_semaphore, #tpu.memory_space<semaphore_mem>>) src(%dma_wait3A_647 : memref<128x128xf32, #tpu.memory_space<vmem>>) dst(%dma_wait3A_643 : memref<128x128xf32, #tpu.memory_space<hbm>>)
    %dma_wait3A_648 = arith.constant 3 : i32
    %dma_wait3A_649 = arith.constant 0 : i32
    %dma_wait3A_650 = arith.constant 0 : i32
    %dma_wait3A_651 = tpu.memref_slice %arg6[%dma_wait3A_648, %dma_wait3A_649, %dma_wait3A_650] : memref<6x128x128xf32, #tpu.memory_space<vmem>> -> memref<1x128x128xf32, #tpu.memory_space<vmem>>
    %dma_wait3A_652 = tpu.memref_squeeze %dma_wait3A_651 : memref<1x128x128xf32, #tpu.memory_space<vmem>> -> memref<128x128xf32, #tpu.memory_space<vmem>>
    %dma_wait3A_653 = arith.constant 0 : i32
    %dma_wait3A_654 = arith.constant 0 : i32
    %dma_wait3A_655 = tpu.memref_slice %arg4[%dma_wait3A_653, %dma_wait3A_654] : memref<737280x128xf32, #tpu.memory_space<hbm>> -> memref<128x128xf32, #tpu.memory_space<hbm>>
    %dma_wait3A_656 = arith.constant 0 : i32
    %dma_wait3A_657 = arith.constant 0 : i32
    %dma_wait3A_658 = tpu.memref_slice %arg4[%dma_wait3A_656, %dma_wait3A_657] : memref<737280x128xf32, #tpu.memory_space<hbm>> -> memref<128x128xf32, #tpu.memory_space<hbm>>
    %dma_wait3A_659 = arith.constant 0 : i32
    %dma_wait3A_660 = arith.constant 0 : i32
    %dma_wait3A_661 = tpu.memref_slice %arg6[%dma_wait3A_648, %dma_wait3A_659, %dma_wait3A_660] : memref<6x128x128xf32, #tpu.memory_space<vmem>> -> memref<1x128x128xf32, #tpu.memory_space<vmem>>
    %dma_wait3A_662 = tpu.memref_squeeze %dma_wait3A_661 : memref<1x128x128xf32, #tpu.memory_space<vmem>> -> memref<128x128xf32, #tpu.memory_space<vmem>>
    tpu.wait_dma2 semaphore(%arg16 : memref<!tpu.dma_semaphore, #tpu.memory_space<semaphore_mem>>) src(%dma_wait3A_662 : memref<128x128xf32, #tpu.memory_space<vmem>>) dst(%dma_wait3A_658 : memref<128x128xf32, #tpu.memory_space<hbm>>)
    %dma_wait3A_663 = arith.constant 4 : i32
    %dma_wait3A_664 = arith.constant 0 : i32
    %dma_wait3A_665 = arith.constant 0 : i32
    %dma_wait3A_666 = tpu.memref_slice %arg6[%dma_wait3A_663, %dma_wait3A_664, %dma_wait3A_665] : memref<6x128x128xf32, #tpu.memory_space<vmem>> -> memref<1x128x128xf32, #tpu.memory_space<vmem>>
    %dma_wait3A_667 = tpu.memref_squeeze %dma_wait3A_666 : memref<1x128x128xf32, #tpu.memory_space<vmem>> -> memref<128x128xf32, #tpu.memory_space<vmem>>
    %dma_wait3A_668 = arith.constant 0 : i32
    %dma_wait3A_669 = arith.constant 0 : i32
    %dma_wait3A_670 = tpu.memref_slice %arg4[%dma_wait3A_668, %dma_wait3A_669] : memref<737280x128xf32, #tpu.memory_space<hbm>> -> memref<128x128xf32, #tpu.memory_space<hbm>>
    %dma_wait3A_671 = arith.constant 0 : i32
    %dma_wait3A_672 = arith.constant 0 : i32
    %dma_wait3A_673 = tpu.memref_slice %arg4[%dma_wait3A_671, %dma_wait3A_672] : memref<737280x128xf32, #tpu.memory_space<hbm>> -> memref<128x128xf32, #tpu.memory_space<hbm>>
    %dma_wait3A_674 = arith.constant 0 : i32
    %dma_wait3A_675 = arith.constant 0 : i32
    %dma_wait3A_676 = tpu.memref_slice %arg6[%dma_wait3A_663, %dma_wait3A_674, %dma_wait3A_675] : memref<6x128x128xf32, #tpu.memory_space<vmem>> -> memref<1x128x128xf32, #tpu.memory_space<vmem>>
    %dma_wait3A_677 = tpu.memref_squeeze %dma_wait3A_676 : memref<1x128x128xf32, #tpu.memory_space<vmem>> -> memref<128x128xf32, #tpu.memory_space<vmem>>
    tpu.wait_dma2 semaphore(%arg17 : memref<!tpu.dma_semaphore, #tpu.memory_space<semaphore_mem>>) src(%dma_wait3A_677 : memref<128x128xf32, #tpu.memory_space<vmem>>) dst(%dma_wait3A_673 : memref<128x128xf32, #tpu.memory_space<hbm>>)
    %dma_wait3A_678 = arith.constant 5 : i32
    %dma_wait3A_679 = arith.constant 0 : i32
    %dma_wait3A_680 = arith.constant 0 : i32
    %dma_wait3A_681 = tpu.memref_slice %arg6[%dma_wait3A_678, %dma_wait3A_679, %dma_wait3A_680] : memref<6x128x128xf32, #tpu.memory_space<vmem>> -> memref<1x128x128xf32, #tpu.memory_space<vmem>>
    %dma_wait3A_682 = tpu.memref_squeeze %dma_wait3A_681 : memref<1x128x128xf32, #tpu.memory_space<vmem>> -> memref<128x128xf32, #tpu.memory_space<vmem>>
    %dma_wait3A_683 = arith.constant 0 : i32
    %dma_wait3A_684 = arith.constant 0 : i32
    %dma_wait3A_685 = tpu.memref_slice %arg4[%dma_wait3A_683, %dma_wait3A_684] : memref<737280x128xf32, #tpu.memory_space<hbm>> -> memref<128x128xf32, #tpu.memory_space<hbm>>
    %dma_wait3A_686 = arith.constant 0 : i32
    %dma_wait3A_687 = arith.constant 0 : i32
    %dma_wait3A_688 = tpu.memref_slice %arg4[%dma_wait3A_686, %dma_wait3A_687] : memref<737280x128xf32, #tpu.memory_space<hbm>> -> memref<128x128xf32, #tpu.memory_space<hbm>>
    %dma_wait3A_689 = arith.constant 0 : i32
    %dma_wait3A_690 = arith.constant 0 : i32
    %dma_wait3A_691 = tpu.memref_slice %arg6[%dma_wait3A_678, %dma_wait3A_689, %dma_wait3A_690] : memref<6x128x128xf32, #tpu.memory_space<vmem>> -> memref<1x128x128xf32, #tpu.memory_space<vmem>>
    %dma_wait3A_692 = tpu.memref_squeeze %dma_wait3A_691 : memref<1x128x128xf32, #tpu.memory_space<vmem>> -> memref<128x128xf32, #tpu.memory_space<vmem>>
    tpu.wait_dma2 semaphore(%arg18 : memref<!tpu.dma_semaphore, #tpu.memory_space<semaphore_mem>>) src(%dma_wait3A_692 : memref<128x128xf32, #tpu.memory_space<vmem>>) dst(%dma_wait3A_688 : memref<128x128xf32, #tpu.memory_space<hbm>>)
    return
  }
}

</mosaic_0001>

<sc_bundles>
// kernel: _embedding_gather.3.cloned.1.call-start
scs
__scs_entry_jumppad:
0x0: {  	(pc) =	sbr.rel $0x88, $3  }
0x1: {  	(tag) =	ssettag $0x0;
	lr =	simm.s32 $0x1  }
0x2: {  	[smem:$0x3F9F] =	sst lr;
	_ =	strace $0xD0000000  }
0x3: {  	_ = 	snop  }
0x4: {  	_ = 	snop  }
0x5: {  	_ = 	snop  }
0x6: {  	_ = 	snop  }
0x7: {  	_ = 	snop  }
__scs_overlays_trampoline_lowered:
0x8: {  	[smem:$0x3FAE] =	sst s0  }
0x9: {  	[smem:$0x3FAF] =	sst s1  }
0xa: {  	[smem:$0x3FB0] =	sst s2  }
0xb: {  	[smem:$0x3FB1] =	sst s3  }
0xc: {  	[smem:$0x3FB2] =	sst s4  }
0xd: {  	[smem:$0x3FB3] =	sst s5  }
0xe: {  	[smem:$0x3FB4] =	sst s6  }
0xf: {  	[smem:$0x3FB5] =	sst s7  }
0x10: {  	[smem:$0x3FB6] =	sst s8  }
0x11: {  	[smem:$0x3FB7] =	sst s9;
	s0 =	simm.s32 @!p0 $0x0  }
0x12: {  	s1 =	sld [smem:$0x3F9D];
	s0 =	simm.s32 @p0 $0x1  }
0x13: {  	[smem:$0x3FB8] =	sst s0;
	s0 =	simm.s32 @!p1 $0x0  }
0x14: {  	s2 =	sld [smem:$0x3F9C];
	s0 =	simm.s32 @p1 $0x1  }
0x15: {  	[smem:$0x3FB9] =	sst s0;
	s0 =	simm.s32 @!p2 $0x0  }
0x16: {  	s3 =	sld [smem:$0x3FDB];
	s0 =	simm.s32 @p2 $0x1  }
0x17: {  	s4 =	simm.s32 $0x1BF5;
	[smem:$0x3FBB] =	sst s0  }
0x18: {  	s0 =	sld [smem:$0x3F9E];
	_ =	swait.ge [sflag:s4], $0x0  }
0x19: {  	s7 =	sld [smem:$0x3F9F]  }
0x1a: {  	s8 =	sadd.s32 $0xFFFFE003, lr  }
0x1b: {  	s9 =	sadd.s32 $0xFFFFFEF7, lr;
	s5 =	simm.s32 $0xFFFFFFFF;
	p2 =	slt.u32 s8, $0xFFFFF086  }
0x1c: {  	p1 =	slt.u32 s9, $0xF7A;
	s5 =	simm.s32 @!p2 $0x0  }
0x1d: {  	s5 =	simm.s32 @p1 $0x1;
	p0 =	seq.s32 s7, s2  }
0x1e: {  	s7 =	smul.u32 @!p0 $0xF7A, s2;
	p2 =	seq.s32 @!p0 s5, $0x0  }
0x1f: {  	s9 =	smul.u32 $0xF7A, s1;
	s8 =	simm.s32 @!p0 $0x1BF5;
	p2 =	por !p2, p0  }
0x20: {  	[sflag:s8] =	ssyncset.s32 @!p0 $0xFFFFF086;
	s6 =	sadd.s32 @!p0 s3, s7;
	s7 =	simm.s32 @!p0 $0x108  }
0x21: {  	s3 =	sadd.s32 s3, s9;
	s6 =	sadd.s32 @!p0 $0x88, s6;
	s7 =	simm.s32 @p2 $0x1082  }
0x22: {  	[simem:s7], [sflag:s8] =	dma.local @!p0 [hbm:s6], $0xF7A  }
0x23: {  	s9 =	sor.u32 $0xD0000000, s2;
	s6 =	simm.s32 $0x108;
	_ =	swait.ge @!p0 [sflag:s8], $0x0  }
0x24: {  	s3 =	sadd.s32 $0x88, s3;
	s6 =	simm.s32 @!p1 $0x1082;
	[sflag:s4] =	ssyncset.s32 $0xFFFFF086  }
0x25: {  	[simem:s6], [sflag:s4] =	dma.local [hbm:s3], $0xF7A  }
0x26: {  	[smem:$0x3F9F] =	sst s1;
	(tag) =	ssettag s2;
	_ =	strace s9  }
0x27: {  	s1 =	sld [smem:$0x3FAF]  }
0x28: {  	s2 =	sld [smem:$0x3FB0]  }
0x29: {  	s4 =	sld [smem:$0x3FB2]  }
0x2a: {  	p0 =	seq.s32 s5, $0x0;
	s5 =	sld [smem:$0x3FB3]  }
0x2b: {  	s6 =	sld [smem:$0x3FB4]  }
0x2c: {  	s7 =	sld [smem:$0x3FB5]  }
0x2d: {  	s3 =	simm.s32 $0x108;
	s8 =	sld [smem:$0x3FB6]  }
0x2e: {  	s3 =	simm.s32 @!p0 $0x1082;
	s9 =	sld [smem:$0x3FB7]  }
0x2f: {  	lr =	sadd.s32 s0, s3;
	s0 =	sld [smem:$0x3FAE]  }
0x30: {  	s3 =	sld [smem:$0x3FB1]  }
0x31: {  	[smem:$0x3FBA] =	sst s10  }
0x32: {  	s10 =	sld [smem:$0x3FB8];
	_ =	sdelay $0x3  }
0x33: {  	p0 =	seq.s32 s10, $0x1;
	s10 =	sld [smem:$0x3FBA];
	_ =	sdelay $0x3  }
0x34: {  	[smem:$0x3FBA] =	sst s10  }
0x35: {  	s10 =	sld [smem:$0x3FB9];
	_ =	sdelay $0x3  }
0x36: {  	p1 =	seq.s32 s10, $0x1;
	s10 =	sld [smem:$0x3FBA];
	_ =	sdelay $0x3  }
0x37: {  	[smem:$0x3FBA] =	sst s10  }
0x38: {  	s10 =	sld [smem:$0x3FBB]  }
0x39: {  	_ = 	snop;
	(pc) =	sbr.ind lr, $3  }
0x3a: {  	_ = 	snop  }
0x3b: {  	_ = 	snop  }
0x3c: {  	p2 =	seq.s32 s10, $0x1;
	s10 =	sld [smem:$0x3FBA]  }
0x3d: {  	_ =	shalt  }
0x3e: {  	_ =	shalt  }
0x3f: {  	_ =	shalt  }
0x40: {  	_ =	shalt  }
0x41: {  	_ =	shalt  }
0x42: {  	_ =	shalt  }
0x43: {  	_ =	shalt  }
0x44: {  	_ =	shalt  }
0x45: {  	_ =	shalt  }
0x46: {  	_ =	shalt  }
0x47: {  	_ =	shalt  }
0x48: {  	_ =	shalt  }
0x49: {  	_ =	shalt  }
0x4a: {  	_ =	shalt  }
0x4b: {  	_ =	shalt  }
0x4c: {  	_ =	shalt  }
0x4d: {  	_ =	shalt  }
0x4e: {  	_ =	shalt  }
0x4f: {  	_ =	shalt  }
0x50: {  	_ =	shalt  }
0x51: {  	_ =	shalt  }
0x52: {  	_ =	shalt  }
0x53: {  	_ =	shalt  }
0x54: {  	_ =	shalt  }
0x55: {  	_ =	shalt  }
0x56: {  	_ =	shalt  }
0x57: {  	_ =	shalt  }
0x58: {  	_ =	shalt  }
0x59: {  	_ =	shalt  }
0x5a: {  	_ =	shalt  }
0x5b: {  	_ =	shalt  }
0x5c: {  	_ =	shalt  }
0x5d: {  	_ =	shalt  }
0x5e: {  	_ =	shalt  }
0x5f: {  	_ =	shalt  }
0x60: {  	_ =	shalt  }
0x61: {  	_ =	shalt  }
0x62: {  	_ =	shalt  }
0x63: {  	_ =	shalt  }
0x64: {  	_ =	shalt  }
0x65: {  	_ =	shalt  }
0x66: {  	_ =	shalt  }
0x67: {  	_ =	shalt  }
0x68: {  	_ =	shalt  }
0x69: {  	_ =	shalt  }
0x6a: {  	_ =	shalt  }
0x6b: {  	_ =	shalt  }
0x6c: {  	_ =	shalt  }
0x6d: {  	_ =	shalt  }
0x6e: {  	_ =	shalt  }
0x6f: {  	_ =	shalt  }
0x70: {  	_ =	shalt  }
0x71: {  	_ =	shalt  }
0x72: {  	_ =	shalt  }
0x73: {  	_ =	shalt  }
0x74: {  	_ =	shalt  }
0x75: {  	_ =	shalt  }
0x76: {  	_ =	shalt  }
0x77: {  	_ =	shalt  }
0x78: {  	_ =	shalt  }
0x79: {  	_ =	shalt  }
0x7a: {  	_ =	shalt  }
0x7b: {  	_ =	shalt  }
0x7c: {  	_ =	shalt  }
0x7d: {  	_ =	shalt  }
0x7e: {  	_ =	shalt  }
0x7f: {  	_ =	shalt  }
0x80: {  	_ =	shalt  }
0x81: {  	_ =	shalt  }
0x82: {  	_ =	shalt  }
0x83: {  	_ =	shalt  }
0x84: {  	_ =	shalt  }
0x85: {  	_ =	shalt  }
0x86: {  	_ =	shalt  }
0x87: {  	_ =	shalt  }
.Lfunc_end0:
.L_simem_size_0:
called_computation_lowered:
.L_overlay_start_0:
0x88: {  	s2 =	sld [smem:$0x3FD9]  }
0x89: {  	s3 =	sld [smem:$0x3FFE];
	_ =	sdelay $0x1  }
0x8a: {  	s1 =	srdreg.scid  }
0x8b: {  	s0 =	sand.u32 $0x1, s1  }
0x8c: {  	s17 =	sshll.u32 s0, $0xA;
	s2 =	sadd.s32 s3, s2  }
0x8d: {  	s2 =	sadd.s32 s2, s17  }
0x8e: {  	[smem:$0x3FC6] =	sst s2  }
0x8f: {  	_ = 	snop  }
0x90: {  	s2 =	sld [smem:$0x3FC9]  }
0x91: {  	s18 =	sld [smem:$0x3FD0];
	(tm) =	ssettm $0x1  }
0x92: {  	s4 =	sld [smem:$0x3FFB];
	_ =	sdelay $0x3  }
0x93: {  	_ =	strace s4  }
0x94: {  	s4 =	sld [smem:$0x3FFC];
	_ =	sdelay $0x3  }
0x95: {  	_ =	strace s4  }
0x96: {  	s4 =	sld [smem:$0x3FFD];
	_ =	sdelay $0x3  }
0x97: {  	_ =	strace s4  }
0x98: {  	_ =	strace $0x8FFFFFFF  }
0x99: {  	s19 =	sld [smem:$0x3FDB];
	_ =	sdelay $0x1  }
0x9a: {  	s5 =	simm.s32 $_scs_section_size  }
0x9b: {  	s6 =	simm.s32 $_size__tile_overlayer_lowered;
	s7 =	simm.s32 $_tile_overlayer_lowered  }
0x9c: {  	s22 =	simm.s32 $0x1BFF;
	s21 =	sshll.u32 s7, $0x1;
	s4 =	sadd.s32 s5, s19  }
0x9d: {  	s8 =	simm.s32 $0x0;
	s20 =	sshll.u32 s6, $0x1;
	s6 =	sadd.s32 s21, s4  }
0x9e: {  	[timem:s8], [sflag:s22] =	dma.local [hbm:s6], s20  }
0x9f: {  	_ =	swait.ge [sflag:s22], s20  }
0xa0: {  	s5 =	ssub.s32 $0x0, s20;
	[sflag:s22] =	ssyncset.done $0x0  }
0xa1: {  	[sflag:s22] =	ssyncadd.s32 s5;
	_ =	sdelay $0x1  }
0xa2: {  	s23 =	simm.s32 $0x1B8B  }
0xa3: {  	_ =	swait.ge [sflag:s23], $0x1  }
0xa4: {  	[sflag:s23] =	ssyncset.done $0x0  }
0xa5: {  	s25 =	simm.s32 $0x1B8E;
	s24 =	sld [smem:$0x3FFE];
	[sflag:s23] =	ssyncadd.s32 $0xFFFFFFFF  }
0xa6: {  	s26 =	simm.s32 $execute0_lowered;
	[smem:$0x3FD2] =	sst s25  }
0xa7: {  	s6 =	sshll.u32 s26, $0x1;
	_ =	strace $0x80000046;
	[dreg:$0x1] =	wrdreg $0xFFFFFFFF  }
0xa8: {  	s28 =	simm.s32 $_size_execute0_lowered;
	s4 =	sadd.s32 s4, s6;
	[dreg:$0x0] =	wrdreg $0x0  }
0xa9: {  	s6 =	sshll.u32 s28, $0x1;
	[dreg:$0x2] =	wrdreg s4  }
0xaa: {  	[dreg:$0x3] =	wrdreg s6  }
0xab: {  	[dreg:$0x4] =	wrdreg $0xC0  }
0xac: {  	_ =	task [dreg:s8], $0x5FFFF  }
0xad: {  	[dreg:$0x1] =	wrdreg $0xFFFFFFFF  }
0xae: {  	[dreg:$0x0] =	wrdreg $0x60  }
0xaf: {  	[dreg:$0x2] =	wrdreg s2  }
0xb0: {  	[dreg:$0x3] =	wrdreg s24  }
0xb1: {  	[dreg:$0x4] =	wrdreg s18  }
0xb2: {  	[dreg:$0x5] =	wrdreg $0x9  }
0xb3: {  	_ =	task.clear_ibuf [dreg:s8], $0x6FFFF;
	_ =	strace $0x90000046  }
0xb4: {  	s29 =	simm.s32 $0x9;
	_ =	strace $0x80000048  }
0xb5: {  	_ =	swait.ge [sflag:s29], $0x1  }
0xb6: {  	[sflag:s29] =	ssyncadd.s32 $0xFFFFFFFF  }
0xb7: {  	_ =	strace $0x90000048  }
0xb8: {  	_ =	sfence  }
0xb9: {  	s30 =	sld [smem:$0x0];
	_ =	sdelay $0x2  }
0xba: {  	s31 =	sshll.u32 s1, $0xD;
	s1 =	sshrl.u32 s1, $0x2  }
0xbb: {  	s3 =	sand.u32 $0x4000, s31;
	s1 =	sadd.s32 s1, s30  }
0xbc: {  	s0 =	sor.u32 s3, s0;
	s1 =	sshll.u32 s1, $0x11  }
0xbd: {  	s0 =	sor.u32 s1, s0  }
0xbe: {  	s0 =	sadd.s32 $0x8F2B, s0  }
0xbf: {  	[sflag:s0] =	ssyncadd.remote.s32 $0x1  }
0xc0: {  	_ =	sfence.sel $0xFFFF  }
0xc1: {  	[dreg:$0x0] =	wrdreg $0xFFFFFFFF;
	(pc) =	sbr.abs _section_cstart, $3  }
0xc2: {  	[dreg:$0x1] =	wrdreg $0xFFFFFFFF  }
0xc3: {  	_ =	task.clear_ibuf [dreg:s8], $0x2FFFF;
	_ =	strace $0x9FFFFFFF  }
0xc4: {  	(tm) =	ssettm $0x7FFFFFFF  }
0xc5: {  	_ =	shalt  }
tec
execute0_lowered:
.L_overlay_start_1:
0x0: {  	(tag) =	ssettag $0x1  }
0x1: {  	s1 =	rddreg [dreg:$0x0]  }
0x2: {  	s0 =	srdreg.scid;
	s2 =	rddreg [dreg:$0x1]  }
0x3: {  	s11 =	stileid.u32;
	s5 =	rddreg [dreg:$0x2]  }
0x4: {  	s28 =	simm.s32 $0x11C00;
	s29 =	simm.s32 $0x2;
	s31 =	simm.s32 $0x15C00  }
0x5: {  	s0 =	sand.u32 $0x1, s0;
	s3 =	sshll.u32 s11, $0x1;
	s21 =	smul.u32 $0xB4000, s11  }
0x6: {  	s4 =	sor.u32 s0, s3;
	s7 =	ssub.s32 $0x2, s0;
	s0 =	smul.u32 $0x5A000, s0  }
0x7: {  	s30 =	simm.s32 $0x7;
	s3 =	simm.s32 $0x0;
	s6 =	smul.u32 $0xB80, s4  }
0x8: {  	s11 =	simm.s32 $0x0;
	[smem:$0x7FF] =	sst s3;
	s8 =	smul.u32 $0x5A000, s4  }
0x9: {  	s9 =	sshrl.u32 s7, $0x1;
	s10 =	smul.u32 $0x2D0000, s4;
	_ =	strace $0x80000047  }
0xa: {  	s14 =	ssub.s32 s7, s9;
	s7 =	simm.s32 $0x9;
	s2 =	sadd.s32 s6, s2  }
0xb: {  	s9 =	simm.s32 $0xB;
	s4 =	sadd.s32 s5, s8;
	s2 =	sadd.s32 $0x400, s2  }
0xc: {  	s16 =	sshrl.u32 s10, $0x3;
	s15 =	sadd.s32 $0x800, s4;
	[dreg:$0x4] =	wrdreg s2  }
0xd: {  	s6 =	simm.s32 $0x6;
	s17 =	sadd.s32 $0x1000, s4;
	[dreg:$0x5] =	wrdreg s15  }
0xe: {  	s18 =	sadd.s32 $0x1800, s4;
	[dreg:$0x6] =	wrdreg s17;
	s2 =	sadd.s32 s5, s16  }
0xf: {  	s8 =	simm.s32 $0xA;
	[dreg:$0x7] =	wrdreg s18;
	s19 =	sadd.s32 $0x2000, s2  }
0x10: {  	s10 =	simm.s32 $0xC;
	s20 =	sadd.s32 $0x2800, s2;
	[dreg:$0x8] =	wrdreg s19  }
0x11: {  	s5 =	sadd.s32 s21, s5;
	s22 =	sadd.s32 $0x57000, s2;
	[dreg:$0x9] =	wrdreg s20  }
0x12: {  	s17 =	smax.u32 s14, $0x1;
	s23 =	sadd.s32 $0x57800, s2;
	[dreg:$0xa] =	wrdreg s22  }
0x13: {  	s21 =	simm.s32 $0x5C00;
	s24 =	sadd.s32 $0x58000, s2;
	[dreg:$0xb] =	wrdreg s23  }
0x14: {  	s25 =	sadd.s32 $0x58800, s2;
	s26 =	sadd.s32 $0x59000, s2;
	[dreg:$0xc] =	wrdreg s24  }
0x15: {  	s16 =	sadd.s32 $0x59800, s2;
	s0 =	sadd.s32 s0, s5;
	[dreg:$0xd] =	wrdreg s25  }
0x16: {  	s2 =	simm.s32 $0x3;
	s5 =	simm.s32 $0x8;
	[dreg:$0xe] =	wrdreg s26  }
0x17: {  	s18 =	sadd.s32 $0x5800, s0;
	s19 =	simm.s32 $0xD;
	s20 =	simm.s32 $0x80  }
0x18: {  	s22 =	simm.s32 $0x9C00;
	s24 =	simm.s32 $0xDC00;
	s25 =	simm.s32 $0x1  }
0x19: {  	s23 =	simm.s32 $0x19C00;
	s26 =	simm.s32 $0x4;
	s0 =	simm.s32 $0x5  }
.LBB2_1:
0x1a: {  	s12 =	rddreg [dreg:$0x4]  }
0x1b: {  	[tilespmem:s3], [sflag:$0xD] =	stream.linear.gather [hbm4b:s12+s3], $0x5A00, $0x38;
	[tilespmem:$0x1DC00] =	vst v63  }
0x1c: {  	_ =	swait.ge [sflag:s19], $0x5A00  }
0x1d: {  	[sflag:s19] =	ssyncset.done $0x0  }
0x1e: {  	[sflag:s19] =	ssyncadd.s32 $0xFFFFA600  }
0x1f: {  	[tilespmem:s21], [sflag:$0x1] =	stream.indirect.gather [hbm4b:s1+s20], $0x80, s3, s20, $0xb8;
	[tilespmem:$0x1DC00] =	vst v63  }
0x20: {  	_ = 	snop  }
0x21: {  	[tilespmem:s22], [sflag:$0x2] =	stream.indirect.gather [hbm4b:s1+s20], $0x80, s20, s20, $0xb8;
	[tilespmem:$0x1DC00] =	vst v63  }
0x22: {  	s15 =	simm.s32 $0x100  }
0x23: {  	[tilespmem:s24], [sflag:$0x3] =	stream.indirect.gather [hbm4b:s1+s20], $0x80, s15, s20, $0xb8;
	[tilespmem:$0x1DC00] =	vst v63  }
0x24: {  	_ =	swait.ge [sflag:s25], $0x4000  }
0x25: {  	[sflag:s25] =	ssyncset.done $0x0  }
0x26: {  	[sflag:s25] =	ssyncadd.s32 $0xFFFFC000  }
0x27: {  	[hbm4b:s4+s3] =	stream.linear.scatter [tilespmem:s21], [sflag:$0x7], $0x4000, $0x38;
	[tilespmem:$0x1DC00] =	vst v63  }
0x28: {  	s13 =	simm.s32 $0x180  }
0x29: {  	[tilespmem:s28], [sflag:$0x4] =	stream.indirect.gather [hbm4b:s1+s20], $0x80, s13, s20, $0xb8;
	[tilespmem:$0x1DC00] =	vst v63  }
0x2a: {  	_ =	swait.ge [sflag:s29], $0x4000  }
0x2b: {  	[sflag:s29] =	ssyncset.done $0x0  }
0x2c: {  	s14 =	rddreg [dreg:$0x5];
	[sflag:s29] =	ssyncadd.s32 $0xFFFFC000  }
0x2d: {  	[hbm4b:s14+s3] =	stream.linear.scatter [tilespmem:s22], [sflag:$0x8], $0x4000, $0x38;
	[tilespmem:$0x1DC00] =	vst v63  }
0x2e: {  	s15 =	simm.s32 $0x200  }
0x2f: {  	[tilespmem:s31], [sflag:$0x5] =	stream.indirect.gather [hbm4b:s1+s20], $0x80, s15, s20, $0xb8;
	[tilespmem:$0x1DC00] =	vst v63  }
0x30: {  	_ =	swait.ge [sflag:s2], $0x4000  }
0x31: {  	[sflag:s2] =	ssyncset.done $0x0  }
0x32: {  	s13 =	rddreg [dreg:$0x6];
	[sflag:s2] =	ssyncadd.s32 $0xFFFFC000  }
0x33: {  	[hbm4b:s13+s3] =	stream.linear.scatter [tilespmem:s24], [sflag:$0x9], $0x4000, $0x38;
	[tilespmem:$0x1DC00] =	vst v63  }
0x34: {  	s14 =	simm.s32 $0x280  }
0x35: {  	[tilespmem:s23], [sflag:$0x6] =	stream.indirect.gather [hbm4b:s1+s20], $0x80, s14, s20, $0xb8;
	[tilespmem:$0x1DC00] =	vst v63  }
0x36: {  	_ =	swait.ge [sflag:s26], $0x4000  }
0x37: {  	[sflag:s26] =	ssyncset.done $0x0  }
0x38: {  	s15 =	rddreg [dreg:$0x7];
	[sflag:s26] =	ssyncadd.s32 $0xFFFFC000  }
0x39: {  	[hbm4b:s15+s3] =	stream.linear.scatter [tilespmem:s28], [sflag:$0xA], $0x4000, $0x38;
	[tilespmem:$0x1DC00] =	vst v63  }
0x3a: {  	_ =	swait.ge [sflag:s30], $0x4000  }
0x3b: {  	[sflag:s30] =	ssyncset.done $0x0  }
0x3c: {  	s13 =	simm.s32 $0x300;
	[sflag:s30] =	ssyncadd.s32 $0xFFFFC000  }
0x3d: {  	[tilespmem:s21], [sflag:$0x1] =	stream.indirect.gather [hbm4b:s1+s20], $0x80, s13, s20, $0xb8;
	[tilespmem:$0x1DC00] =	vst v63  }
0x3e: {  	_ =	swait.ge [sflag:s0], $0x4000  }
0x3f: {  	[sflag:s0] =	ssyncset.done $0x0  }
0x40: {  	s14 =	rddreg [dreg:$0x8];
	[sflag:s0] =	ssyncadd.s32 $0xFFFFC000  }
0x41: {  	[hbm4b:s14+s3] =	stream.linear.scatter [tilespmem:s31], [sflag:$0xB], $0x4000, $0x38;
	[tilespmem:$0x1DC00] =	vst v63  }
0x42: {  	_ =	swait.ge [sflag:s5], $0x4000  }
0x43: {  	[sflag:s5] =	ssyncset.done $0x0  }
0x44: {  	s15 =	simm.s32 $0x380;
	[sflag:s5] =	ssyncadd.s32 $0xFFFFC000  }
0x45: {  	[tilespmem:s22], [sflag:$0x2] =	stream.indirect.gather [hbm4b:s1+s20], $0x80, s15, s20, $0xb8;
	[tilespmem:$0x1DC00] =	vst v63  }
0x46: {  	_ =	swait.ge [sflag:s6], $0x4000  }
0x47: {  	[sflag:s6] =	ssyncset.done $0x0  }
0x48: {  	s13 =	rddreg [dreg:$0x9];
	[sflag:s6] =	ssyncadd.s32 $0xFFFFC000  }
0x49: {  	[hbm4b:s13+s3] =	stream.linear.scatter [tilespmem:s23], [sflag:$0xC], $0x4000, $0x38;
	[tilespmem:$0x1DC00] =	vst v63  }
0x4a: {  	_ =	swait.ge [sflag:s7], $0x4000  }
0x4b: {  	[sflag:s7] =	ssyncset.done $0x0  }
0x4c: {  	s14 =	simm.s32 $0x400;
	[sflag:s7] =	ssyncadd.s32 $0xFFFFC000  }
0x4d: {  	[tilespmem:s24], [sflag:$0x3] =	stream.indirect.gather [hbm4b:s1+s20], $0x80, s14, s20, $0xb8;
	[tilespmem:$0x1DC00] =	vst v63  }
0x4e: {  	_ =	swait.ge [sflag:s25], $0x4000  }
0x4f: {  	[sflag:s25] =	ssyncset.done $0x0  }
0x50: {  	s15 =	sadd.s32 $0xFFFFD800, s18;
	[sflag:s25] =	ssyncadd.s32 $0xFFFFC000  }
0x51: {  	[hbm4b:s15+s3] =	stream.linear.scatter [tilespmem:s21], [sflag:$0x7], $0x4000, $0x38;
	[tilespmem:$0x1DC00] =	vst v63  }
0x52: {  	_ =	swait.ge [sflag:s8], $0x4000  }
0x53: {  	[sflag:s8] =	ssyncset.done $0x0  }
0x54: {  	s13 =	simm.s32 $0x480;
	[sflag:s8] =	ssyncadd.s32 $0xFFFFC000  }
0x55: {  	[tilespmem:s28], [sflag:$0x4] =	stream.indirect.gather [hbm4b:s1+s20], $0x80, s13, s20, $0xb8;
	[tilespmem:$0x1DC00] =	vst v63  }
0x56: {  	_ =	swait.ge [sflag:s29], $0x4000  }
0x57: {  	[sflag:s29] =	ssyncset.done $0x0  }
0x58: {  	s14 =	sadd.s32 $0xFFFFE000, s18;
	[sflag:s29] =	ssyncadd.s32 $0xFFFFC000  }
0x59: {  	[hbm4b:s14+s3] =	stream.linear.scatter [tilespmem:s22], [sflag:$0x8], $0x4000, $0x38;
	[tilespmem:$0x1DC00] =	vst v63  }
0x5a: {  	_ =	swait.ge [sflag:s9], $0x4000  }
0x5b: {  	[sflag:s9] =	ssyncset.done $0x0  }
0x5c: {  	s15 =	simm.s32 $0x500;
	[sflag:s9] =	ssyncadd.s32 $0xFFFFC000  }
0x5d: {  	[tilespmem:s31], [sflag:$0x5] =	stream.indirect.gather [hbm4b:s1+s20], $0x80, s15, s20, $0xb8;
	[tilespmem:$0x1DC00] =	vst v63  }
0x5e: {  	_ =	swait.ge [sflag:s2], $0x4000  }
0x5f: {  	[sflag:s2] =	ssyncset.done $0x0  }
0x60: {  	s13 =	sadd.s32 $0xFFFFE800, s18;
	[sflag:s2] =	ssyncadd.s32 $0xFFFFC000  }
0x61: {  	[hbm4b:s13+s3] =	stream.linear.scatter [tilespmem:s24], [sflag:$0x9], $0x4000, $0x38;
	[tilespmem:$0x1DC00] =	vst v63  }
0x62: {  	_ =	swait.ge [sflag:s10], $0x4000  }
0x63: {  	[sflag:s10] =	ssyncset.done $0x0  }
0x64: {  	s14 =	simm.s32 $0x580;
	[sflag:s10] =	ssyncadd.s32 $0xFFFFC000  }
0x65: {  	[tilespmem:s23], [sflag:$0x6] =	stream.indirect.gather [hbm4b:s1+s20], $0x80, s14, s20, $0xb8;
	[tilespmem:$0x1DC00] =	vst v63  }
0x66: {  	_ =	swait.ge [sflag:s26], $0x4000  }
0x67: {  	[sflag:s26] =	ssyncset.done $0x0  }
0x68: {  	s15 =	sadd.s32 $0xFFFFF000, s18;
	[sflag:s26] =	ssyncadd.s32 $0xFFFFC000  }
0x69: {  	[hbm4b:s15+s3] =	stream.linear.scatter [tilespmem:s28], [sflag:$0xA], $0x4000, $0x38;
	[tilespmem:$0x1DC00] =	vst v63  }
0x6a: {  	_ =	swait.ge [sflag:s30], $0x4000  }
0x6b: {  	[sflag:s30] =	ssyncset.done $0x0  }
0x6c: {  	s13 =	simm.s32 $0x600;
	[sflag:s30] =	ssyncadd.s32 $0xFFFFC000  }
0x6d: {  	[tilespmem:s21], [sflag:$0x1] =	stream.indirect.gather [hbm4b:s1+s20], $0x80, s13, s20, $0xb8;
	[tilespmem:$0x1DC00] =	vst v63  }
0x6e: {  	_ =	swait.ge [sflag:s0], $0x4000  }
0x6f: {  	[sflag:s0] =	ssyncset.done $0x0  }
0x70: {  	s14 =	sadd.s32 $0xFFFFF800, s18;
	[sflag:s0] =	ssyncadd.s32 $0xFFFFC000  }
0x71: {  	[hbm4b:s14+s3] =	stream.linear.scatter [tilespmem:s31], [sflag:$0xB], $0x4000, $0x38;
	[tilespmem:$0x1DC00] =	vst v63  }
0x72: {  	_ =	swait.ge [sflag:s5], $0x4000  }
0x73: {  	[sflag:s5] =	ssyncset.done $0x0  }
0x74: {  	s15 =	simm.s32 $0x680;
	[sflag:s5] =	ssyncadd.s32 $0xFFFFC000  }
0x75: {  	[tilespmem:s22], [sflag:$0x2] =	stream.indirect.gather [hbm4b:s1+s20], $0x80, s15, s20, $0xb8;
	[tilespmem:$0x1DC00] =	vst v63  }
0x76: {  	_ =	swait.ge [sflag:s6], $0x4000  }
0x77: {  	[sflag:s6] =	ssyncset.done $0x0  }
0x78: {  	[sflag:s6] =	ssyncadd.s32 $0xFFFFC000  }
0x79: {  	[hbm4b:s18+s3] =	stream.linear.scatter [tilespmem:s23], [sflag:$0xC], $0x4000, $0x38;
	[tilespmem:$0x1DC00] =	vst v63  }
0x7a: {  	_ =	swait.ge [sflag:s7], $0x4000  }
0x7b: {  	s12 =	simm.s32 $0xC00;
	[sflag:s7] =	ssyncset.done $0x0  }
0x7c: {  	s13 =	sadd.s32 $0x3000, s18;
	s14 =	simm.s32 $0x700;
	[sflag:s7] =	ssyncadd.s32 $0xFFFFC000  }
.LBB2_2:
0x7d: {  	[tilespmem:s24], [sflag:$0x3] =	stream.indirect.gather [hbm4b:s1+s20], $0x80, s14, s20, $0xb8;
	[tilespmem:$0x1DC00] =	vst v63  }
0x7e: {  	s14 =	smov.u32 s12  }
0x7f: {  	p0 =	sne.s32 s12, $0x14400;
	s12 =	sadd.s32 $0xC00, s12;
	_ =	swait.ge [sflag:s25], $0x4000  }
0x80: {  	[sflag:s25] =	ssyncset.done $0x0  }
0x81: {  	s15 =	sadd.s32 $0xFFFFD800, s13;
	[sflag:s25] =	ssyncadd.s32 $0xFFFFC000  }
0x82: {  	[hbm4b:s15+s3] =	stream.linear.scatter [tilespmem:s21], [sflag:$0x7], $0x4000, $0x38;
	[tilespmem:$0x1DC00] =	vst v63  }
0x83: {  	_ =	swait.ge [sflag:s8], $0x4000  }
0x84: {  	s14 =	sshra.s32 s14, $0x2;
	[sflag:s8] =	ssyncset.done $0x0  }
0x85: {  	s15 =	sadd.s32 $0x480, s14;
	[sflag:s8] =	ssyncadd.s32 $0xFFFFC000  }
0x86: {  	[tilespmem:s28], [sflag:$0x4] =	stream.indirect.gather [hbm4b:s1+s20], $0x80, s15, s20, $0xb8;
	[tilespmem:$0x1DC00] =	vst v63  }
0x87: {  	_ =	swait.ge [sflag:s29], $0x4000  }
0x88: {  	[sflag:s29] =	ssyncset.done $0x0  }
0x89: {  	s15 =	sadd.s32 $0xFFFFE000, s13;
	[sflag:s29] =	ssyncadd.s32 $0xFFFFC000  }
0x8a: {  	[hbm4b:s15+s3] =	stream.linear.scatter [tilespmem:s22], [sflag:$0x8], $0x4000, $0x38;
	[tilespmem:$0x1DC00] =	vst v63  }
0x8b: {  	_ =	swait.ge [sflag:s9], $0x4000  }
0x8c: {  	[sflag:s9] =	ssyncset.done $0x0  }
0x8d: {  	s15 =	sadd.s32 $0x500, s14;
	[sflag:s9] =	ssyncadd.s32 $0xFFFFC000  }
0x8e: {  	[tilespmem:s31], [sflag:$0x5] =	stream.indirect.gather [hbm4b:s1+s20], $0x80, s15, s20, $0xb8;
	[tilespmem:$0x1DC00] =	vst v63  }
0x8f: {  	_ =	swait.ge [sflag:s2], $0x4000  }
0x90: {  	[sflag:s2] =	ssyncset.done $0x0  }
0x91: {  	s15 =	sadd.s32 $0xFFFFE800, s13;
	[sflag:s2] =	ssyncadd.s32 $0xFFFFC000  }
0x92: {  	[hbm4b:s15+s3] =	stream.linear.scatter [tilespmem:s24], [sflag:$0x9], $0x4000, $0x38;
	[tilespmem:$0x1DC00] =	vst v63  }
0x93: {  	_ =	swait.ge [sflag:s10], $0x4000  }
0x94: {  	[sflag:s10] =	ssyncset.done $0x0  }
0x95: {  	s15 =	sadd.s32 $0x580, s14;
	[sflag:s10] =	ssyncadd.s32 $0xFFFFC000  }
0x96: {  	[tilespmem:s23], [sflag:$0x6] =	stream.indirect.gather [hbm4b:s1+s20], $0x80, s15, s20, $0xb8;
	[tilespmem:$0x1DC00] =	vst v63  }
0x97: {  	_ =	swait.ge [sflag:s26], $0x4000  }
0x98: {  	[sflag:s26] =	ssyncset.done $0x0  }
0x99: {  	s15 =	sadd.s32 $0xFFFFF000, s13;
	[sflag:s26] =	ssyncadd.s32 $0xFFFFC000  }
0x9a: {  	[hbm4b:s15+s3] =	stream.linear.scatter [tilespmem:s28], [sflag:$0xA], $0x4000, $0x38;
	[tilespmem:$0x1DC00] =	vst v63  }
0x9b: {  	_ =	swait.ge [sflag:s30], $0x4000  }
0x9c: {  	[sflag:s30] =	ssyncset.done $0x0  }
0x9d: {  	s15 =	sadd.s32 $0x600, s14;
	[sflag:s30] =	ssyncadd.s32 $0xFFFFC000  }
0x9e: {  	[tilespmem:s21], [sflag:$0x1] =	stream.indirect.gather [hbm4b:s1+s20], $0x80, s15, s20, $0xb8;
	[tilespmem:$0x1DC00] =	vst v63  }
0x9f: {  	_ =	swait.ge [sflag:s0], $0x4000  }
0xa0: {  	[sflag:s0] =	ssyncset.done $0x0  }
0xa1: {  	s15 =	sadd.s32 $0xFFFFF800, s13;
	[sflag:s0] =	ssyncadd.s32 $0xFFFFC000  }
0xa2: {  	[hbm4b:s15+s3] =	stream.linear.scatter [tilespmem:s31], [sflag:$0xB], $0x4000, $0x38;
	[tilespmem:$0x1DC00] =	vst v63  }
0xa3: {  	_ =	swait.ge [sflag:s5], $0x4000  }
0xa4: {  	[sflag:s5] =	ssyncset.done $0x0  }
0xa5: {  	s15 =	sadd.s32 $0x680, s14;
	[sflag:s5] =	ssyncadd.s32 $0xFFFFC000  }
0xa6: {  	[tilespmem:s22], [sflag:$0x2] =	stream.indirect.gather [hbm4b:s1+s20], $0x80, s15, s20, $0xb8;
	[tilespmem:$0x1DC00] =	vst v63  }
0xa7: {  	_ =	swait.ge [sflag:s6], $0x4000  }
0xa8: {  	[sflag:s6] =	ssyncset.done $0x0  }
.Ltmp0:
0xa9: {  	[sflag:s6] =	ssyncadd.s32 $0xFFFFC000;
	(pc) =	sbr.rel @p0 .LBB2_2-.Ltmp0, $4  }
0xaa: {  	[hbm4b:s13+s3] =	stream.linear.scatter [tilespmem:s23], [sflag:$0xC], $0x4000, $0x38;
	[tilespmem:$0x1DC00] =	vst v63  }
0xab: {  	_ =	swait.ge [sflag:s7], $0x4000  }
0xac: {  	[sflag:s7] =	ssyncset.done $0x0  }
0xad: {  	s14 =	sadd.s32 $0x700, s14;
	s13 =	sadd.s32 $0x3000, s13;
	[sflag:s7] =	ssyncadd.s32 $0xFFFFC000  }
0xae: {  	[tilespmem:s24], [sflag:$0x3] =	stream.indirect.gather [hbm4b:s1+s20], $0x80, s14, s20, $0xb8;
	[tilespmem:$0x1DC00] =	vst v63  }
0xaf: {  	_ =	swait.ge [sflag:s25], $0x4000  }
0xb0: {  	[sflag:s25] =	ssyncset.done $0x0  }
0xb1: {  	s12 =	rddreg [dreg:$0xa];
	[sflag:s25] =	ssyncadd.s32 $0xFFFFC000  }
0xb2: {  	[hbm4b:s12+s3] =	stream.linear.scatter [tilespmem:s21], [sflag:$0x7], $0x4000, $0x38;
	[tilespmem:$0x1DC00] =	vst v63  }
0xb3: {  	_ =	swait.ge [sflag:s8], $0x4000  }
0xb4: {  	[sflag:s8] =	ssyncset.done $0x0  }
0xb5: {  	s15 =	simm.s32 $0x5880;
	[sflag:s8] =	ssyncadd.s32 $0xFFFFC000  }
0xb6: {  	[tilespmem:s28], [sflag:$0x4] =	stream.indirect.gather [hbm4b:s1+s20], $0x80, s15, s20, $0xb8;
	[tilespmem:$0x1DC00] =	vst v63  }
0xb7: {  	_ =	swait.ge [sflag:s29], $0x4000  }
0xb8: {  	[sflag:s29] =	ssyncset.done $0x0  }
0xb9: {  	s13 =	rddreg [dreg:$0xb];
	[sflag:s29] =	ssyncadd.s32 $0xFFFFC000  }
0xba: {  	[hbm4b:s13+s3] =	stream.linear.scatter [tilespmem:s22], [sflag:$0x8], $0x4000, $0x38;
	[tilespmem:$0x1DC00] =	vst v63  }
0xbb: {  	_ =	swait.ge [sflag:s9], $0x4000  }
0xbc: {  	[sflag:s9] =	ssyncset.done $0x0  }
0xbd: {  	s14 =	simm.s32 $0x5900;
	[sflag:s9] =	ssyncadd.s32 $0xFFFFC000  }
0xbe: {  	[tilespmem:s31], [sflag:$0x5] =	stream.indirect.gather [hbm4b:s1+s20], $0x80, s14, s20, $0xb8;
	[tilespmem:$0x1DC00] =	vst v63  }
0xbf: {  	_ =	swait.ge [sflag:s2], $0x4000  }
0xc0: {  	[sflag:s2] =	ssyncset.done $0x0  }
0xc1: {  	s15 =	rddreg [dreg:$0xc];
	[sflag:s2] =	ssyncadd.s32 $0xFFFFC000  }
0xc2: {  	[hbm4b:s15+s3] =	stream.linear.scatter [tilespmem:s24], [sflag:$0x9], $0x4000, $0x38;
	[tilespmem:$0x1DC00] =	vst v63  }
0xc3: {  	_ =	swait.ge [sflag:s10], $0x4000  }
0xc4: {  	[sflag:s10] =	ssyncset.done $0x0  }
0xc5: {  	s13 =	simm.s32 $0x5980;
	[sflag:s10] =	ssyncadd.s32 $0xFFFFC000  }
0xc6: {  	[tilespmem:s23], [sflag:$0x6] =	stream.indirect.gather [hbm4b:s1+s20], $0x80, s13, s20, $0xb8;
	[tilespmem:$0x1DC00] =	vst v63  }
0xc7: {  	_ =	swait.ge [sflag:s26], $0x4000  }
0xc8: {  	[sflag:s26] =	ssyncset.done $0x0  }
0xc9: {  	s14 =	rddreg [dreg:$0xd];
	[sflag:s26] =	ssyncadd.s32 $0xFFFFC000  }
0xca: {  	[hbm4b:s14+s3] =	stream.linear.scatter [tilespmem:s28], [sflag:$0xA], $0x4000, $0x38;
	[tilespmem:$0x1DC00] =	vst v63  }
0xcb: {  	_ =	swait.ge [sflag:s30], $0x4000  }
0xcc: {  	[sflag:s30] =	ssyncset.done $0x0  }
0xcd: {  	[sflag:s30] =	ssyncadd.s32 $0xFFFFC000  }
0xce: {  	_ =	swait.ge [sflag:s0], $0x4000  }
0xcf: {  	[sflag:s0] =	ssyncset.done $0x0  }
0xd0: {  	s15 =	rddreg [dreg:$0xe];
	[sflag:s0] =	ssyncadd.s32 $0xFFFFC000  }
0xd1: {  	[hbm4b:s15+s3] =	stream.linear.scatter [tilespmem:s31], [sflag:$0xB], $0x4000, $0x38;
	[tilespmem:$0x1DC00] =	vst v63  }
0xd2: {  	_ =	swait.ge [sflag:s5], $0x4000  }
0xd3: {  	[sflag:s5] =	ssyncset.done $0x0  }
0xd4: {  	[sflag:s5] =	ssyncadd.s32 $0xFFFFC000  }
0xd5: {  	_ =	swait.ge [sflag:s6], $0x4000  }
0xd6: {  	[sflag:s6] =	ssyncset.done $0x0  }
0xd7: {  	[sflag:s6] =	ssyncadd.s32 $0xFFFFC000  }
0xd8: {  	[hbm4b:s16+s3] =	stream.linear.scatter [tilespmem:s23], [sflag:$0xC], $0x4000, $0x38;
	[tilespmem:$0x1DC00] =	vst v63  }
0xd9: {  	_ =	swait.ge [sflag:s7], $0x4000  }
0xda: {  	[sflag:s7] =	ssyncset.done $0x0  }
0xdb: {  	[sflag:s7] =	ssyncadd.s32 $0xFFFFC000  }
0xdc: {  	_ =	swait.ge [sflag:s8], $0x4000  }
0xdd: {  	[sflag:s8] =	ssyncset.done $0x0  }
0xde: {  	s11 =	sadd.s32 $0x1, s11;
	[sflag:s8] =	ssyncadd.s32 $0xFFFFC000  }
0xdf: {  	p0 =	sne.s32 s11, s17;
	_ =	swait.ge [sflag:s9], $0x4000  }
.Ltmp1:
0xe0: {  	[sflag:s9] =	ssyncset.done $0x0;
	(pc) =	sbr.rel @p0 .LBB2_1-.Ltmp1, $4  }
0xe1: {  	[sflag:s9] =	ssyncadd.s32 $0xFFFFC000  }
0xe2: {  	_ =	swait.ge [sflag:s10], $0x4000  }
0xe3: {  	[sflag:s10] =	ssyncset.done $0x0  }
0xe4: {  	[sflag:s10] =	ssyncadd.s32 $0xFFFFC000  }
0xe5: {  	_ =	sfence.sel $0x180000  }
0xe6: {  	[bflag:$0x0] =	sbarrier.arrive $0xFFFF  }
0xe7: {  	_ =	strace $0x90000047  }
0xe8: {  	s0 =	stileid.u32;
	[bflag:$0x2] =	sbarrier.arrive $0xFFFF  }
0xe9: {  	p0 =	sne.s32 s0, $0x0;
	s0 =	rddreg [dreg:$0x3]  }
0xea: {  	s0 =	sadd.s32 @!p0 $0x100000, s0  }
0xeb: {  	[sflag:s0] =	ssyncadd.tile.s32 @!p0 $0x1;
	_ =	shalt  }
.Lfunc_end2:
_tile_overlayer_lowered:
.L_overlay_start_2:
0xec: {  	(tag) =	ssettag $0x2  }
0xed: {  	s0 =	rddreg [dreg:$0x0];
	s2 =	stileid.u32  }
0xee: {  	s1 =	rddreg [dreg:$0x1];
	p0 =	sne.s32 s2, $0x0  }
0xef: {  	s3 =	rddreg [dreg:$0x2];
	[bflag:$0x3] =	sbarrier.arrive $0xFFFF;
	s2 =	simm.s32 @!p0 $0x1C0D  }
0xf0: {  	[timem:s3], [sflag:s2] =	dma.local @!p0 [hbm:s0], s1  }
0xf1: {  	s0 =	simm.s32 @!p0 $0xD  }
0xf2: {  	_ =	swait.ge @!p0 [sflag:s0], s1  }
0xf3: {  	s1 =	ssub.s32 @!p0 $0x0, s1;
	[sflag:s0] =	ssyncset.done @!p0 $0x0  }
0xf4: {  	[sflag:s0] =	ssyncadd.s32 @!p0 s1  }
0xf5: {  	[bflag:$0x3] =	sbarrier.arrive $0xFFFF  }
0xf6: {  	_ =	shalt  }

</sc_bundles>
